<compile_context>
chip_gen: v7x
topology: tpu7x:2x2x1
jax: 0.10.2.dev20260603
libtpu: 0.0.44.dev20260713+nightly
codegen_flags: <defaults>
</compile_context>

<pallas_src>
import functools

import jax
import jax.numpy as jnp
from jax import lax
from jax.experimental import pallas as pl
from jax.experimental.pallas import tpu as pltpu
from jax.experimental.pallas import tpu_sc as plsc

N_NODES = 50000
N_EDGES = 1600000
NUM_WORKERS = 32
CHUNK = 12800
NCHUNKS = N_EDGES // CHUNK
MAX_G = -(-NCHUNKS // NUM_WORKERS)
VECS = CHUNK // 16
NSUB_PAD = 1024

_mesh = plsc.VectorSubcoreMesh(core_axis_name="c", subcore_axis_name="s")


@functools.partial(
    pl.kernel,
    mesh=_mesh,
    compiler_params=pltpu.CompilerParams(needs_layout_passes=False),
    out_type=jax.ShapeDtypeStruct((NUM_WORKERS, 8, 128), jnp.float32),
    scratch_types=[
        pltpu.VMEM((N_NODES,), jnp.int32),
        pltpu.VMEM((2, CHUNK), jnp.int32),
        pltpu.VMEM((2, CHUNK), jnp.int32),
        pltpu.VMEM((CHUNK,), jnp.float32),
        pltpu.VMEM((CHUNK,), jnp.float32),
        pltpu.VMEM((NSUB_PAD,), jnp.float32),
        pltpu.VMEM((NSUB_PAD,), jnp.float32),
        pltpu.VMEM((8, 128), jnp.float32),
        pltpu.SemaphoreType.DMA,
        pltpu.SemaphoreType.DMA,
        pltpu.SemaphoreType.DMA,
        pltpu.SemaphoreType.DMA,
    ],
)
def _sc_scatter(w_hbm, ei_hbm, packed_hbm, out_hbm,
                packed_v, eb0, eb1, wb0, wb1, acc_a, acc_b, red_v,
                sem_i0, sem_i1, sem_w0, sem_w1):
  wid = lax.axis_index("c") * 16 + lax.axis_index("s")

  bufs = [(eb0, wb0, sem_i0, sem_w0), (eb1, wb1, sem_i1, sem_w1)]

  def chunk_off(g):
    cid = wid + NUM_WORKERS * g
    cid = jnp.minimum(cid, NCHUNKS - 1)
    return pl.multiple_of(cid * CHUNK, 128)

  def start_dma(g, eb, wbuf, si, sw):
    off = chunk_off(g)
    pltpu.make_async_copy(ei_hbm.at[:, pl.ds(off, CHUNK)], eb, si).start()
    pltpu.make_async_copy(w_hbm.at[pl.ds(off, CHUNK)], wbuf, sw).start()

  start_dma(0, eb0, wb0, sem_i0, sem_w0)
  pltpu.sync_copy(packed_hbm, packed_v)

  zeros16 = jnp.zeros((16,), jnp.float32)

  @plsc.parallel_loop(0, NSUB_PAD // 16)
  def _(i):
    sl = pl.ds(pl.multiple_of(i * 16, 16), 16)
    acc_a[sl] = zeros16
    acc_b[sl] = zeros16

  lomask = jnp.full((16,), 0xFFFF, jnp.int32)
  himask = jnp.full((16,), -65536, jnp.int32)

  def process(eb, wbuf):
    @plsc.parallel_loop(0, VECS // 2, unroll=4)
    def _(h):
      for k, acc in ((0, acc_a), (1, acc_b)):
        sl = pl.ds(pl.multiple_of((h * 2 + k) * 16, 16), 16)
        a = eb[1, sl]
        w = wbuf[sl]
        packed = plsc.load_gather(packed_v, [a])
        d = plsc.bitcast(packed & himask, jnp.float32)
        s = packed & lomask
        plsc.addupdate_scatter(acc, [s], w * d)

  for g in range(MAX_G):
    eb, wbuf, si, sw = bufs[g % 2]
    pltpu.make_async_copy(ei_hbm.at[:, pl.ds(chunk_off(g), CHUNK)], eb, si).wait()
    pltpu.make_async_copy(w_hbm.at[pl.ds(chunk_off(g), CHUNK)], wbuf, sw).wait()
    if g + 1 < MAX_G:
      neb, nwb, nsi, nsw = bufs[(g + 1) % 2]
      start_dma(g + 1, neb, nwb, nsi, nsw)
    if g + 1 < MAX_G:
      process(eb, wbuf)
    else:
      @pl.when(wid + NUM_WORKERS * g < NCHUNKS)
      def _():
        process(eb, wbuf)

  @plsc.parallel_loop(0, NSUB_PAD // 16)
  def _(c):
    sl = pl.ds(pl.multiple_of(c * 16, 16), 16)
    s = acc_a[sl] + acc_b[sl]
    red_v[c // 8, pl.ds(pl.multiple_of((c % 8) * 16, 16), 16)] = s

  pltpu.sync_copy(red_v, out_hbm.at[wid])


def _combine_body(p_ref, y_ref, o_ref, *, nsub):
  s = jnp.sum(p_ref[...], axis=0)
  r = jnp.abs(s - y_ref[...])
  idx = (lax.broadcasted_iota(jnp.int32, (8, 128), 0) * 128
         + lax.broadcasted_iota(jnp.int32, (8, 128), 1))
  r = jnp.where(idx < nsub, r, 0.0)
  loss = jnp.sum(r) * (1.0 / nsub)
  o_ref[...] = jnp.zeros((8, 128), jnp.float32) + loss


def kernel(edge_weights, edge_index, agent_demand, agent_substation_map,
           substation_y_true, num_substations):
  submap = agent_substation_map.astype(jnp.uint32)
  nsub = substation_y_true.shape[0]

  d16 = lax.bitcast_convert_type(
      agent_demand.astype(jnp.bfloat16), jnp.uint16).astype(jnp.uint32)
  packed = lax.bitcast_convert_type((d16 << 16) | submap, jnp.int32)

  partials = _sc_scatter(edge_weights, edge_index.astype(jnp.int32), packed)

  y_pad = jnp.pad(substation_y_true, (0, NSUB_PAD - nsub)).reshape(8, 128)
  loss = pl.pallas_call(
      functools.partial(_combine_body, nsub=nsub),
      out_shape=jax.ShapeDtypeStruct((8, 128), jnp.float32),
  )(partials, y_pad)
  return loss[0, 0]

# --- scband reference (transcript-rebuilt; emitter-appended) ---
"""Pipeline reference for scband-supervised-substation-demand-loss-25323127177733 (READ-ONLY COPY).

The authoritative reference and input builder live on the scoring server;
editing this copy changes nothing except your own understanding.
"""

import jax, jax.numpy as jnp
import numpy as np

N_NODES = 50000
N_EDGES = 1600000
N_SUB = 1000


def setup_inputs(seed: int = 0) -> dict:
    key = jax.random.key(seed)
    k1, k2, k3, k4, k5 = jax.random.split(key, 5)
    edge_weights = jax.random.uniform(k1, (N_EDGES,), dtype=jnp.float32)
    edge_index = jax.random.randint(k2, (2, N_EDGES), 0, N_NODES, dtype=jnp.int64)
    agent_demand = jax.random.uniform(k3, (N_NODES,), dtype=jnp.float32)
    agent_substation_map = jax.random.randint(k4, (N_NODES,), 0, N_SUB, dtype=jnp.int64)
    substation_y_true = jax.random.uniform(k5, (N_SUB,), dtype=jnp.float32)
    return {
        "edge_weights": edge_weights,
        "edge_index": edge_index,
        "agent_demand": agent_demand,
        "agent_substation_map": agent_substation_map,
        "substation_y_true": substation_y_true,
        "num_substations": N_SUB,
    }


def reference(edge_weights, edge_index, agent_demand, agent_substation_map, substation_y_true, num_substations):
    a_indices = edge_index[1]
    # gather per-edge agent demand and scale by predicted edge weight
    predicted_edge_demand = edge_weights * jnp.take(agent_demand, a_indices, axis=0)
    # map each edge to its substation via the agent endpoint
    edge_substation_map = jnp.take(agent_substation_map, a_indices, axis=0)
    # scatter-add per-edge demand into substations
    zeros_base = jnp.zeros((substation_y_true.shape[0],), dtype=edge_weights.dtype) * num_substations
    predicted_substation_demand = zeros_base.at[edge_substation_map].add(predicted_edge_demand)
    # mean absolute error against supervision signal
    loss = jnp.mean(jnp.abs(predicted_substation_demand - substation_y_true))
    return loss

if __name__ == "__main__":
    import jax
    _d = setup_inputs()
    print(jax.jit(kernel)(*tuple(_d.values())))

</pallas_src>

<mosaic_0001>
#map = affine_map<(d0, d1) -> (0)>
#map1 = affine_map<(d0, d1) -> (0, 0)>
#map2 = affine_map<(d0, d1) -> (0, 0, 0)>
module attributes {stable_mosaic.version = 14 : i64} {
  func.func @_sc_scatter(%arg0: i32, %arg1: i32, %arg2: memref<1600000xf32, #tpu.memory_space<hbm>>, %arg3: memref<2x1600000xi32, #tpu.memory_space<hbm>>, %arg4: memref<50000xi32, #tpu.memory_space<hbm>>, %arg5: memref<32x8x128xf32, #tpu.memory_space<hbm>>, %arg6: memref<50000xi32, #tpu.memory_space<vmem>>, %arg7: memref<2x12800xi32, #tpu.memory_space<vmem>>, %arg8: memref<2x12800xi32, #tpu.memory_space<vmem>>, %arg9: memref<12800xf32, #tpu.memory_space<vmem>>, %arg10: memref<12800xf32, #tpu.memory_space<vmem>>, %arg11: memref<1024xf32, #tpu.memory_space<vmem>>, %arg12: memref<1024xf32, #tpu.memory_space<vmem>>, %arg13: memref<8x128xf32, #tpu.memory_space<vmem>>, %arg14: memref<!tpu.dma_semaphore, #tpu.memory_space<semaphore_mem>>, %arg15: memref<!tpu.dma_semaphore, #tpu.memory_space<semaphore_mem>>, %arg16: memref<!tpu.dma_semaphore, #tpu.memory_space<semaphore_mem>>, %arg17: memref<!tpu.dma_semaphore, #tpu.memory_space<semaphore_mem>>) attributes {dimension_semantics = [#tpu.dimension_semantics<core_parallel>, #tpu.dimension_semantics<subcore_parallel>], iteration_bounds = array<i64: 2, 16>, scalar_prefetch = 0 : i64, scratch_operands = 12 : i64, tpu.core_type = #tpu.core_type<sc_vector_subcore>, window_params = [{transform_indices = #map}, {transform_indices = #map1}, {transform_indices = #map}, {transform_indices = #map2}]} {
    %mul3A = arith.constant 16 : i32
    %mul3A_0 = arith.muli %arg0, %mul3A : i32
    %add3A = arith.addi %mul3A_0, %arg1 : i32
    %add3A_1 = arith.constant 0 : i32
    %add3A_2 = arith.addi %add3A, %add3A_1 : i32
    %min3A = arith.constant 124 : i32
    %min3A_3 = arith.minsi %add3A_2, %min3A : i32
    %mul3A_4 = arith.constant 12800 : i32
    %mul3A_5 = arith.muli %min3A_3, %mul3A_4 : i32
    %multiple_of3A = tpu.assume_multiple %mul3A_5, 128 : i32
    %dma_start3A = arith.constant 0 : i32
    %dma_start3A_6 = tpu.memref_slice %arg3[%dma_start3A, %multiple_of3A] : memref<2x1600000xi32, #tpu.memory_space<hbm>> -> memref<2x12800xi32, #tpu.memory_space<hbm>>
    %dma_start3A_7 = arith.constant 0 : i32
    %dma_start3A_8 = tpu.memref_slice %arg3[%dma_start3A_7, %multiple_of3A] : memref<2x1600000xi32, #tpu.memory_space<hbm>> -> memref<2x12800xi32, #tpu.memory_space<hbm>>
    tpu.enqueue_dma source(%dma_start3A_8 : memref<2x12800xi32, #tpu.memory_space<hbm>>) target(%arg7 : memref<2x12800xi32, #tpu.memory_space<vmem>>) target_semaphore(%arg14 : memref<!tpu.dma_semaphore, #tpu.memory_space<semaphore_mem>>)
    %dma_start3A_9 = tpu.memref_slice %arg2[%multiple_of3A] : memref<1600000xf32, #tpu.memory_space<hbm>> -> memref<12800xf32, #tpu.memory_space<hbm>>
    %dma_start3A_10 = tpu.memref_slice %arg2[%multiple_of3A] : memref<1600000xf32, #tpu.memory_space<hbm>> -> memref<12800xf32, #tpu.memory_space<hbm>>
    tpu.enqueue_dma source(%dma_start3A_10 : memref<12800xf32, #tpu.memory_space<hbm>>) target(%arg9 : memref<12800xf32, #tpu.memory_space<vmem>>) target_semaphore(%arg16 : memref<!tpu.dma_semaphore, #tpu.memory_space<semaphore_mem>>)
    "tpu.region"() ({
      %run_scoped3A = tpu.sem_alloc : memref<!tpu.dma_semaphore, #tpu.memory_space<semaphore_mem>>
      tpu.enqueue_dma source(%arg4 : memref<50000xi32, #tpu.memory_space<hbm>>) target(%arg6 : memref<50000xi32, #tpu.memory_space<vmem>>) target_semaphore(%run_scoped3A : memref<!tpu.dma_semaphore, #tpu.memory_space<semaphore_mem>>)
      tpu.wait_dma2 semaphore(%run_scoped3A : memref<!tpu.dma_semaphore, #tpu.memory_space<semaphore_mem>>) src(%arg4 : memref<50000xi32, #tpu.memory_space<hbm>>) dst(%arg6 : memref<50000xi32, #tpu.memory_space<vmem>>)
      tpu.yield
    }) : () -> ()
    %broadcast_in_dim3A = arith.constant 0.000000e+00 : f32
    %broadcast_in_dim3A_11 = vector.broadcast %broadcast_in_dim3A : f32 to vector<16xf32>
    %parallel_loop3A = arith.constant 0 : i32
    %parallel_loop3A_12 = arith.constant 64 : i32
    %parallel_loop3A_13 = arith.constant 1 : i32
    scf.for %parallel_loop3A_152 = %parallel_loop3A to %parallel_loop3A_12 step %parallel_loop3A_13  : i32 {
      %parallel_loop3A_153 = arith.constant 16 : i32
      %parallel_loop3A_154 = arith.muli %parallel_loop3A_152, %parallel_loop3A_153 : i32
      %parallel_loop3A_155 = tpu.assume_multiple %parallel_loop3A_154, 16 : i32
      %parallel_loop3A_156 = arith.index_cast %parallel_loop3A_155 : i32 to index
      %parallel_loop3A_157 = tpu.vector_load %arg11[%parallel_loop3A_156] {strides = array<i32>} : memref<1024xf32, #tpu.memory_space<vmem>>, vector<16xf32>,
      tpu.vector_store %arg11[%parallel_loop3A_156], %broadcast_in_dim3A_11 {strides = array<i32>} : memref<1024xf32, #tpu.memory_space<vmem>>, vector<16xf32>,
      %parallel_loop3A_158 = arith.index_cast %parallel_loop3A_155 : i32 to index
      %parallel_loop3A_159 = tpu.vector_load %arg12[%parallel_loop3A_158] {strides = array<i32>} : memref<1024xf32, #tpu.memory_space<vmem>>, vector<16xf32>,
      tpu.vector_store %arg12[%parallel_loop3A_158], %broadcast_in_dim3A_11 {strides = array<i32>} : memref<1024xf32, #tpu.memory_space<vmem>>, vector<16xf32>,
    } {sc.loop_unroll_factor = 1 : i64, sc.parallel_access}
    %broadcast_in_dim3A_14 = arith.constant 65535 : i32
    %broadcast_in_dim3A_15 = vector.broadcast %broadcast_in_dim3A_14 : i32 to vector<16xi32>
    %broadcast_in_dim3A_16 = arith.constant -65536 : i32
    %broadcast_in_dim3A_17 = vector.broadcast %broadcast_in_dim3A_16 : i32 to vector<16xi32>
    %add3A_18 = arith.constant 0 : i32
    %add3A_19 = arith.addi %add3A, %add3A_18 : i32
    %min3A_20 = arith.constant 124 : i32
    %min3A_21 = arith.minsi %add3A_19, %min3A_20 : i32
    %mul3A_22 = arith.constant 12800 : i32
    %mul3A_23 = arith.muli %min3A_21, %mul3A_22 : i32
    %multiple_of3A_24 = tpu.assume_multiple %mul3A_23, 128 : i32
    %dma_wait3A = arith.constant 0 : i32
    %dma_wait3A_25 = tpu.memref_slice %arg3[%dma_wait3A, %multiple_of3A_24] : memref<2x1600000xi32, #tpu.memory_space<hbm>> -> memref<2x12800xi32, #tpu.memory_space<hbm>>
    %dma_wait3A_26 = arith.constant 0 : i32
    %dma_wait3A_27 = tpu.memref_slice %arg3[%dma_wait3A_26, %multiple_of3A_24] : memref<2x1600000xi32, #tpu.memory_space<hbm>> -> memref<2x12800xi32, #tpu.memory_space<hbm>>
    tpu.wait_dma2 semaphore(%arg14 : memref<!tpu.dma_semaphore, #tpu.memory_space<semaphore_mem>>) src(%dma_wait3A_27 : memref<2x12800xi32, #tpu.memory_space<hbm>>) dst(%arg7 : memref<2x12800xi32, #tpu.memory_space<vmem>>)
    %add3A_28 = arith.constant 0 : i32
    %add3A_29 = arith.addi %add3A, %add3A_28 : i32
    %min3A_30 = arith.constant 124 : i32
    %min3A_31 = arith.minsi %add3A_29, %min3A_30 : i32
    %mul3A_32 = arith.constant 12800 : i32
    %mul3A_33 = arith.muli %min3A_31, %mul3A_32 : i32
    %multiple_of3A_34 = tpu.assume_multiple %mul3A_33, 128 : i32
    %dma_wait3A_35 = tpu.memref_slice %arg2[%multiple_of3A_34] : memref<1600000xf32, #tpu.memory_space<hbm>> -> memref<12800xf32, #tpu.memory_space<hbm>>
    %dma_wait3A_36 = tpu.memref_slice %arg2[%multiple_of3A_34] : memref<1600000xf32, #tpu.memory_space<hbm>> -> memref<12800xf32, #tpu.memory_space<hbm>>
    tpu.wait_dma2 semaphore(%arg16 : memref<!tpu.dma_semaphore, #tpu.memory_space<semaphore_mem>>) src(%dma_wait3A_36 : memref<12800xf32, #tpu.memory_space<hbm>>) dst(%arg9 : memref<12800xf32, #tpu.memory_space<vmem>>)
    %add3A_37 = arith.constant 32 : i32
    %add3A_38 = arith.addi %add3A, %add3A_37 : i32
    %min3A_39 = arith.constant 124 : i32
    %min3A_40 = arith.minsi %add3A_38, %min3A_39 : i32
    %mul3A_41 = arith.constant 12800 : i32
    %mul3A_42 = arith.muli %min3A_40, %mul3A_41 : i32
    %multiple_of3A_43 = tpu.assume_multiple %mul3A_42, 128 : i32
    %dma_start3A_44 = arith.constant 0 : i32
    %dma_start3A_45 = tpu.memref_slice %arg3[%dma_start3A_44, %multiple_of3A_43] : memref<2x1600000xi32, #tpu.memory_space<hbm>> -> memref<2x12800xi32, #tpu.memory_space<hbm>>
    %dma_start3A_46 = arith.constant 0 : i32
    %dma_start3A_47 = tpu.memref_slice %arg3[%dma_start3A_46, %multiple_of3A_43] : memref<2x1600000xi32, #tpu.memory_space<hbm>> -> memref<2x12800xi32, #tpu.memory_space<hbm>>
    tpu.enqueue_dma source(%dma_start3A_47 : memref<2x12800xi32, #tpu.memory_space<hbm>>) target(%arg8 : memref<2x12800xi32, #tpu.memory_space<vmem>>) target_semaphore(%arg15 : memref<!tpu.dma_semaphore, #tpu.memory_space<semaphore_mem>>)
    %dma_start3A_48 = tpu.memref_slice %arg2[%multiple_of3A_43] : memref<1600000xf32, #tpu.memory_space<hbm>> -> memref<12800xf32, #tpu.memory_space<hbm>>
    %dma_start3A_49 = tpu.memref_slice %arg2[%multiple_of3A_43] : memref<1600000xf32, #tpu.memory_space<hbm>> -> memref<12800xf32, #tpu.memory_space<hbm>>
    tpu.enqueue_dma source(%dma_start3A_49 : memref<12800xf32, #tpu.memory_space<hbm>>) target(%arg10 : memref<12800xf32, #tpu.memory_space<vmem>>) target_semaphore(%arg17 : memref<!tpu.dma_semaphore, #tpu.memory_space<semaphore_mem>>)
    %parallel_loop3A_50 = arith.constant 0 : i32
    %parallel_loop3A_51 = arith.constant 400 : i32
    %parallel_loop3A_52 = arith.constant 1 : i32
    scf.for %parallel_loop3A_152 = %parallel_loop3A_50 to %parallel_loop3A_51 step %parallel_loop3A_52  : i32 {
      %parallel_loop3A_153 = arith.constant 2 : i32
      %parallel_loop3A_154 = arith.muli %parallel_loop3A_152, %parallel_loop3A_153 : i32
      %parallel_loop3A_155 = arith.constant 0 : i32
      %parallel_loop3A_156 = arith.addi %parallel_loop3A_154, %parallel_loop3A_155 : i32
      %parallel_loop3A_157 = arith.constant 16 : i32
      %parallel_loop3A_158 = arith.muli %parallel_loop3A_156, %parallel_loop3A_157 : i32
      %parallel_loop3A_159 = tpu.assume_multiple %parallel_loop3A_158, 16 : i32
      %parallel_loop3A_160 = arith.constant 1 : i32
      %parallel_loop3A_161 = arith.index_cast %parallel_loop3A_160 : i32 to index
      %parallel_loop3A_162 = arith.index_cast %parallel_loop3A_159 : i32 to index
      %parallel_loop3A_163 = tpu.vector_load %arg7[%parallel_loop3A_161, %parallel_loop3A_162] {strides = array<i32>} : memref<2x12800xi32, #tpu.memory_space<vmem>>, vector<16xi32>,
      %parallel_loop3A_164 = arith.index_cast %parallel_loop3A_159 : i32 to index
      %parallel_loop3A_165 = tpu.vector_load %arg9[%parallel_loop3A_164] {strides = array<i32>} : memref<12800xf32, #tpu.memory_space<vmem>>, vector<16xf32>,
      %parallel_loop3A_166 = tpu.vector_load_idx %arg6[%parallel_loop3A_163] : memref<50000xi32, #tpu.memory_space<vmem>>[vector<16xi32>], vector<16xi32>,
      %parallel_loop3A_167 = arith.andi %parallel_loop3A_166, %broadcast_in_dim3A_17 : vector<16xi32>
      %parallel_loop3A_168 = vector.bitcast %parallel_loop3A_167 : vector<16xi32> to vector<16xf32>
      %parallel_loop3A_169 = arith.andi %parallel_loop3A_166, %broadcast_in_dim3A_15 : vector<16xi32>
      %parallel_loop3A_170 = arith.mulf %parallel_loop3A_165, %parallel_loop3A_168 : vector<16xf32>
      tpu.vector_store_idx %arg11[%parallel_loop3A_169], %parallel_loop3A_170 {add = true} : memref<1024xf32, #tpu.memory_space<vmem>>[vector<16xi32>], vector<16xf32>,
      %parallel_loop3A_171 = arith.constant 2 : i32
      %parallel_loop3A_172 = arith.muli %parallel_loop3A_152, %parallel_loop3A_171 : i32
      %parallel_loop3A_173 = arith.constant 1 : i32
      %parallel_loop3A_174 = arith.addi %parallel_loop3A_172, %parallel_loop3A_173 : i32
      %parallel_loop3A_175 = arith.constant 16 : i32
      %parallel_loop3A_176 = arith.muli %parallel_loop3A_174, %parallel_loop3A_175 : i32
      %parallel_loop3A_177 = tpu.assume_multiple %parallel_loop3A_176, 16 : i32
      %parallel_loop3A_178 = arith.constant 1 : i32
      %parallel_loop3A_179 = arith.index_cast %parallel_loop3A_178 : i32 to index
      %parallel_loop3A_180 = arith.index_cast %parallel_loop3A_177 : i32 to index
      %parallel_loop3A_181 = tpu.vector_load %arg7[%parallel_loop3A_179, %parallel_loop3A_180] {strides = array<i32>} : memref<2x12800xi32, #tpu.memory_space<vmem>>, vector<16xi32>,
      %parallel_loop3A_182 = arith.index_cast %parallel_loop3A_177 : i32 to index
      %parallel_loop3A_183 = tpu.vector_load %arg9[%parallel_loop3A_182] {strides = array<i32>} : memref<12800xf32, #tpu.memory_space<vmem>>, vector<16xf32>,
      %parallel_loop3A_184 = tpu.vector_load_idx %arg6[%parallel_loop3A_181] : memref<50000xi32, #tpu.memory_space<vmem>>[vector<16xi32>], vector<16xi32>,
      %parallel_loop3A_185 = arith.andi %parallel_loop3A_184, %broadcast_in_dim3A_17 : vector<16xi32>
      %parallel_loop3A_186 = vector.bitcast %parallel_loop3A_185 : vector<16xi32> to vector<16xf32>
      %parallel_loop3A_187 = arith.andi %parallel_loop3A_184, %broadcast_in_dim3A_15 : vector<16xi32>
      %parallel_loop3A_188 = arith.mulf %parallel_loop3A_183, %parallel_loop3A_186 : vector<16xf32>
      tpu.vector_store_idx %arg12[%parallel_loop3A_187], %parallel_loop3A_188 {add = true} : memref<1024xf32, #tpu.memory_space<vmem>>[vector<16xi32>], vector<16xf32>,
    } {sc.loop_unroll_factor = 4 : i64, sc.parallel_access}
    %add3A_53 = arith.constant 32 : i32
    %add3A_54 = arith.addi %add3A, %add3A_53 : i32
    %min3A_55 = arith.constant 124 : i32
    %min3A_56 = arith.minsi %add3A_54, %min3A_55 : i32
    %mul3A_57 = arith.constant 12800 : i32
    %mul3A_58 = arith.muli %min3A_56, %mul3A_57 : i32
    %multiple_of3A_59 = tpu.assume_multiple %mul3A_58, 128 : i32
    %dma_wait3A_60 = arith.constant 0 : i32
    %dma_wait3A_61 = tpu.memref_slice %arg3[%dma_wait3A_60, %multiple_of3A_59] : memref<2x1600000xi32, #tpu.memory_space<hbm>> -> memref<2x12800xi32, #tpu.memory_space<hbm>>
    %dma_wait3A_62 = arith.constant 0 : i32
    %dma_wait3A_63 = tpu.memref_slice %arg3[%dma_wait3A_62, %multiple_of3A_59] : memref<2x1600000xi32, #tpu.memory_space<hbm>> -> memref<2x12800xi32, #tpu.memory_space<hbm>>
    tpu.wait_dma2 semaphore(%arg15 : memref<!tpu.dma_semaphore, #tpu.memory_space<semaphore_mem>>) src(%dma_wait3A_63 : memref<2x12800xi32, #tpu.memory_space<hbm>>) dst(%arg8 : memref<2x12800xi32, #tpu.memory_space<vmem>>)
    %add3A_64 = arith.constant 32 : i32
    %add3A_65 = arith.addi %add3A, %add3A_64 : i32
    %min3A_66 = arith.constant 124 : i32
    %min3A_67 = arith.minsi %add3A_65, %min3A_66 : i32
    %mul3A_68 = arith.constant 12800 : i32
    %mul3A_69 = arith.muli %min3A_67, %mul3A_68 : i32
    %multiple_of3A_70 = tpu.assume_multiple %mul3A_69, 128 : i32
    %dma_wait3A_71 = tpu.memref_slice %arg2[%multiple_of3A_70] : memref<1600000xf32, #tpu.memory_space<hbm>> -> memref<12800xf32, #tpu.memory_space<hbm>>
    %dma_wait3A_72 = tpu.memref_slice %arg2[%multiple_of3A_70] : memref<1600000xf32, #tpu.memory_space<hbm>> -> memref<12800xf32, #tpu.memory_space<hbm>>
    tpu.wait_dma2 semaphore(%arg17 : memref<!tpu.dma_semaphore, #tpu.memory_space<semaphore_mem>>) src(%dma_wait3A_72 : memref<12800xf32, #tpu.memory_space<hbm>>) dst(%arg10 : memref<12800xf32, #tpu.memory_space<vmem>>)
    %add3A_73 = arith.constant 64 : i32
    %add3A_74 = arith.addi %add3A, %add3A_73 : i32
    %min3A_75 = arith.constant 124 : i32
    %min3A_76 = arith.minsi %add3A_74, %min3A_75 : i32
    %mul3A_77 = arith.constant 12800 : i32
    %mul3A_78 = arith.muli %min3A_76, %mul3A_77 : i32
    %multiple_of3A_79 = tpu.assume_multiple %mul3A_78, 128 : i32
    %dma_start3A_80 = arith.constant 0 : i32
    %dma_start3A_81 = tpu.memref_slice %arg3[%dma_start3A_80, %multiple_of3A_79] : memref<2x1600000xi32, #tpu.memory_space<hbm>> -> memref<2x12800xi32, #tpu.memory_space<hbm>>
    %dma_start3A_82 = arith.constant 0 : i32
    %dma_start3A_83 = tpu.memref_slice %arg3[%dma_start3A_82, %multiple_of3A_79] : memref<2x1600000xi32, #tpu.memory_space<hbm>> -> memref<2x12800xi32, #tpu.memory_space<hbm>>
    tpu.enqueue_dma source(%dma_start3A_83 : memref<2x12800xi32, #tpu.memory_space<hbm>>) target(%arg7 : memref<2x12800xi32, #tpu.memory_space<vmem>>) target_semaphore(%arg14 : memref<!tpu.dma_semaphore, #tpu.memory_space<semaphore_mem>>)
    %dma_start3A_84 = tpu.memref_slice %arg2[%multiple_of3A_79] : memref<1600000xf32, #tpu.memory_space<hbm>> -> memref<12800xf32, #tpu.memory_space<hbm>>
    %dma_start3A_85 = tpu.memref_slice %arg2[%multiple_of3A_79] : memref<1600000xf32, #tpu.memory_space<hbm>> -> memref<12800xf32, #tpu.memory_space<hbm>>
    tpu.enqueue_dma source(%dma_start3A_85 : memref<12800xf32, #tpu.memory_space<hbm>>) target(%arg9 : memref<12800xf32, #tpu.memory_space<vmem>>) target_semaphore(%arg16 : memref<!tpu.dma_semaphore, #tpu.memory_space<semaphore_mem>>)
    %parallel_loop3A_86 = arith.constant 0 : i32
    %parallel_loop3A_87 = arith.constant 400 : i32
    %parallel_loop3A_88 = arith.constant 1 : i32
    scf.for %parallel_loop3A_152 = %parallel_loop3A_86 to %parallel_loop3A_87 step %parallel_loop3A_88  : i32 {
      %parallel_loop3A_153 = arith.constant 2 : i32
      %parallel_loop3A_154 = arith.muli %parallel_loop3A_152, %parallel_loop3A_153 : i32
      %parallel_loop3A_155 = arith.constant 0 : i32
      %parallel_loop3A_156 = arith.addi %parallel_loop3A_154, %parallel_loop3A_155 : i32
      %parallel_loop3A_157 = arith.constant 16 : i32
      %parallel_loop3A_158 = arith.muli %parallel_loop3A_156, %parallel_loop3A_157 : i32
      %parallel_loop3A_159 = tpu.assume_multiple %parallel_loop3A_158, 16 : i32
      %parallel_loop3A_160 = arith.constant 1 : i32
      %parallel_loop3A_161 = arith.index_cast %parallel_loop3A_160 : i32 to index
      %parallel_loop3A_162 = arith.index_cast %parallel_loop3A_159 : i32 to index
      %parallel_loop3A_163 = tpu.vector_load %arg8[%parallel_loop3A_161, %parallel_loop3A_162] {strides = array<i32>} : memref<2x12800xi32, #tpu.memory_space<vmem>>, vector<16xi32>,
      %parallel_loop3A_164 = arith.index_cast %parallel_loop3A_159 : i32 to index
      %parallel_loop3A_165 = tpu.vector_load %arg10[%parallel_loop3A_164] {strides = array<i32>} : memref<12800xf32, #tpu.memory_space<vmem>>, vector<16xf32>,
      %parallel_loop3A_166 = tpu.vector_load_idx %arg6[%parallel_loop3A_163] : memref<50000xi32, #tpu.memory_space<vmem>>[vector<16xi32>], vector<16xi32>,
      %parallel_loop3A_167 = arith.andi %parallel_loop3A_166, %broadcast_in_dim3A_17 : vector<16xi32>
      %parallel_loop3A_168 = vector.bitcast %parallel_loop3A_167 : vector<16xi32> to vector<16xf32>
      %parallel_loop3A_169 = arith.andi %parallel_loop3A_166, %broadcast_in_dim3A_15 : vector<16xi32>
      %parallel_loop3A_170 = arith.mulf %parallel_loop3A_165, %parallel_loop3A_168 : vector<16xf32>
      tpu.vector_store_idx %arg11[%parallel_loop3A_169], %parallel_loop3A_170 {add = true} : memref<1024xf32, #tpu.memory_space<vmem>>[vector<16xi32>], vector<16xf32>,
      %parallel_loop3A_171 = arith.constant 2 : i32
      %parallel_loop3A_172 = arith.muli %parallel_loop3A_152, %parallel_loop3A_171 : i32
      %parallel_loop3A_173 = arith.constant 1 : i32
      %parallel_loop3A_174 = arith.addi %parallel_loop3A_172, %parallel_loop3A_173 : i32
      %parallel_loop3A_175 = arith.constant 16 : i32
      %parallel_loop3A_176 = arith.muli %parallel_loop3A_174, %parallel_loop3A_175 : i32
      %parallel_loop3A_177 = tpu.assume_multiple %parallel_loop3A_176, 16 : i32
      %parallel_loop3A_178 = arith.constant 1 : i32
      %parallel_loop3A_179 = arith.index_cast %parallel_loop3A_178 : i32 to index
      %parallel_loop3A_180 = arith.index_cast %parallel_loop3A_177 : i32 to index
      %parallel_loop3A_181 = tpu.vector_load %arg8[%parallel_loop3A_179, %parallel_loop3A_180] {strides = array<i32>} : memref<2x12800xi32, #tpu.memory_space<vmem>>, vector<16xi32>,
      %parallel_loop3A_182 = arith.index_cast %parallel_loop3A_177 : i32 to index
      %parallel_loop3A_183 = tpu.vector_load %arg10[%parallel_loop3A_182] {strides = array<i32>} : memref<12800xf32, #tpu.memory_space<vmem>>, vector<16xf32>,
      %parallel_loop3A_184 = tpu.vector_load_idx %arg6[%parallel_loop3A_181] : memref<50000xi32, #tpu.memory_space<vmem>>[vector<16xi32>], vector<16xi32>,
      %parallel_loop3A_185 = arith.andi %parallel_loop3A_184, %broadcast_in_dim3A_17 : vector<16xi32>
      %parallel_loop3A_186 = vector.bitcast %parallel_loop3A_185 : vector<16xi32> to vector<16xf32>
      %parallel_loop3A_187 = arith.andi %parallel_loop3A_184, %broadcast_in_dim3A_15 : vector<16xi32>
      %parallel_loop3A_188 = arith.mulf %parallel_loop3A_183, %parallel_loop3A_186 : vector<16xf32>
      tpu.vector_store_idx %arg12[%parallel_loop3A_187], %parallel_loop3A_188 {add = true} : memref<1024xf32, #tpu.memory_space<vmem>>[vector<16xi32>], vector<16xf32>,
    } {sc.loop_unroll_factor = 4 : i64, sc.parallel_access}
    %add3A_89 = arith.constant 64 : i32
    %add3A_90 = arith.addi %add3A, %add3A_89 : i32
    %min3A_91 = arith.constant 124 : i32
    %min3A_92 = arith.minsi %add3A_90, %min3A_91 : i32
    %mul3A_93 = arith.constant 12800 : i32
    %mul3A_94 = arith.muli %min3A_92, %mul3A_93 : i32
    %multiple_of3A_95 = tpu.assume_multiple %mul3A_94, 128 : i32
    %dma_wait3A_96 = arith.constant 0 : i32
    %dma_wait3A_97 = tpu.memref_slice %arg3[%dma_wait3A_96, %multiple_of3A_95] : memref<2x1600000xi32, #tpu.memory_space<hbm>> -> memref<2x12800xi32, #tpu.memory_space<hbm>>
    %dma_wait3A_98 = arith.constant 0 : i32
    %dma_wait3A_99 = tpu.memref_slice %arg3[%dma_wait3A_98, %multiple_of3A_95] : memref<2x1600000xi32, #tpu.memory_space<hbm>> -> memref<2x12800xi32, #tpu.memory_space<hbm>>
    tpu.wait_dma2 semaphore(%arg14 : memref<!tpu.dma_semaphore, #tpu.memory_space<semaphore_mem>>) src(%dma_wait3A_99 : memref<2x12800xi32, #tpu.memory_space<hbm>>) dst(%arg7 : memref<2x12800xi32, #tpu.memory_space<vmem>>)
    %add3A_100 = arith.constant 64 : i32
    %add3A_101 = arith.addi %add3A, %add3A_100 : i32
    %min3A_102 = arith.constant 124 : i32
    %min3A_103 = arith.minsi %add3A_101, %min3A_102 : i32
    %mul3A_104 = arith.constant 12800 : i32
    %mul3A_105 = arith.muli %min3A_103, %mul3A_104 : i32
    %multiple_of3A_106 = tpu.assume_multiple %mul3A_105, 128 : i32
    %dma_wait3A_107 = tpu.memref_slice %arg2[%multiple_of3A_106] : memref<1600000xf32, #tpu.memory_space<hbm>> -> memref<12800xf32, #tpu.memory_space<hbm>>
    %dma_wait3A_108 = tpu.memref_slice %arg2[%multiple_of3A_106] : memref<1600000xf32, #tpu.memory_space<hbm>> -> memref<12800xf32, #tpu.memory_space<hbm>>
    tpu.wait_dma2 semaphore(%arg16 : memref<!tpu.dma_semaphore, #tpu.memory_space<semaphore_mem>>) src(%dma_wait3A_108 : memref<12800xf32, #tpu.memory_space<hbm>>) dst(%arg9 : memref<12800xf32, #tpu.memory_space<vmem>>)
    %add3A_109 = arith.constant 96 : i32
    %add3A_110 = arith.addi %add3A, %add3A_109 : i32
    %min3A_111 = arith.constant 124 : i32
    %min3A_112 = arith.minsi %add3A_110, %min3A_111 : i32
    %mul3A_113 = arith.constant 12800 : i32
    %mul3A_114 = arith.muli %min3A_112, %mul3A_113 : i32
    %multiple_of3A_115 = tpu.assume_multiple %mul3A_114, 128 : i32
    %dma_start3A_116 = arith.constant 0 : i32
    %dma_start3A_117 = tpu.memref_slice %arg3[%dma_start3A_116, %multiple_of3A_115] : memref<2x1600000xi32, #tpu.memory_space<hbm>> -> memref<2x12800xi32, #tpu.memory_space<hbm>>
    %dma_start3A_118 = arith.constant 0 : i32
    %dma_start3A_119 = tpu.memref_slice %arg3[%dma_start3A_118, %multiple_of3A_115] : memref<2x1600000xi32, #tpu.memory_space<hbm>> -> memref<2x12800xi32, #tpu.memory_space<hbm>>
    tpu.enqueue_dma source(%dma_start3A_119 : memref<2x12800xi32, #tpu.memory_space<hbm>>) target(%arg8 : memref<2x12800xi32, #tpu.memory_space<vmem>>) target_semaphore(%arg15 : memref<!tpu.dma_semaphore, #tpu.memory_space<semaphore_mem>>)
    %dma_start3A_120 = tpu.memref_slice %arg2[%multiple_of3A_115] : memref<1600000xf32, #tpu.memory_space<hbm>> -> memref<12800xf32, #tpu.memory_space<hbm>>
    %dma_start3A_121 = tpu.memref_slice %arg2[%multiple_of3A_115] : memref<1600000xf32, #tpu.memory_space<hbm>> -> memref<12800xf32, #tpu.memory_space<hbm>>
    tpu.enqueue_dma source(%dma_start3A_121 : memref<12800xf32, #tpu.memory_space<hbm>>) target(%arg10 : memref<12800xf32, #tpu.memory_space<vmem>>) target_semaphore(%arg17 : memref<!tpu.dma_semaphore, #tpu.memory_space<semaphore_mem>>)
    %parallel_loop3A_122 = arith.constant 0 : i32
    %parallel_loop3A_123 = arith.constant 400 : i32
    %parallel_loop3A_124 = arith.constant 1 : i32
    scf.for %parallel_loop3A_152 = %parallel_loop3A_122 to %parallel_loop3A_123 step %parallel_loop3A_124  : i32 {
      %parallel_loop3A_153 = arith.constant 2 : i32
      %parallel_loop3A_154 = arith.muli %parallel_loop3A_152, %parallel_loop3A_153 : i32
      %parallel_loop3A_155 = arith.constant 0 : i32
      %parallel_loop3A_156 = arith.addi %parallel_loop3A_154, %parallel_loop3A_155 : i32
      %parallel_loop3A_157 = arith.constant 16 : i32
      %parallel_loop3A_158 = arith.muli %parallel_loop3A_156, %parallel_loop3A_157 : i32
      %parallel_loop3A_159 = tpu.assume_multiple %parallel_loop3A_158, 16 : i32
      %parallel_loop3A_160 = arith.constant 1 : i32
      %parallel_loop3A_161 = arith.index_cast %parallel_loop3A_160 : i32 to index
      %parallel_loop3A_162 = arith.index_cast %parallel_loop3A_159 : i32 to index
      %parallel_loop3A_163 = tpu.vector_load %arg7[%parallel_loop3A_161, %parallel_loop3A_162] {strides = array<i32>} : memref<2x12800xi32, #tpu.memory_space<vmem>>, vector<16xi32>,
      %parallel_loop3A_164 = arith.index_cast %parallel_loop3A_159 : i32 to index
      %parallel_loop3A_165 = tpu.vector_load %arg9[%parallel_loop3A_164] {strides = array<i32>} : memref<12800xf32, #tpu.memory_space<vmem>>, vector<16xf32>,
      %parallel_loop3A_166 = tpu.vector_load_idx %arg6[%parallel_loop3A_163] : memref<50000xi32, #tpu.memory_space<vmem>>[vector<16xi32>], vector<16xi32>,
      %parallel_loop3A_167 = arith.andi %parallel_loop3A_166, %broadcast_in_dim3A_17 : vector<16xi32>
      %parallel_loop3A_168 = vector.bitcast %parallel_loop3A_167 : vector<16xi32> to vector<16xf32>
      %parallel_loop3A_169 = arith.andi %parallel_loop3A_166, %broadcast_in_dim3A_15 : vector<16xi32>
      %parallel_loop3A_170 = arith.mulf %parallel_loop3A_165, %parallel_loop3A_168 : vector<16xf32>
      tpu.vector_store_idx %arg11[%parallel_loop3A_169], %parallel_loop3A_170 {add = true} : memref<1024xf32, #tpu.memory_space<vmem>>[vector<16xi32>], vector<16xf32>,
      %parallel_loop3A_171 = arith.constant 2 : i32
      %parallel_loop3A_172 = arith.muli %parallel_loop3A_152, %parallel_loop3A_171 : i32
      %parallel_loop3A_173 = arith.constant 1 : i32
      %parallel_loop3A_174 = arith.addi %parallel_loop3A_172, %parallel_loop3A_173 : i32
      %parallel_loop3A_175 = arith.constant 16 : i32
      %parallel_loop3A_176 = arith.muli %parallel_loop3A_174, %parallel_loop3A_175 : i32
      %parallel_loop3A_177 = tpu.assume_multiple %parallel_loop3A_176, 16 : i32
      %parallel_loop3A_178 = arith.constant 1 : i32
      %parallel_loop3A_179 = arith.index_cast %parallel_loop3A_178 : i32 to index
      %parallel_loop3A_180 = arith.index_cast %parallel_loop3A_177 : i32 to index
      %parallel_loop3A_181 = tpu.vector_load %arg7[%parallel_loop3A_179, %parallel_loop3A_180] {strides = array<i32>} : memref<2x12800xi32, #tpu.memory_space<vmem>>, vector<16xi32>,
      %parallel_loop3A_182 = arith.index_cast %parallel_loop3A_177 : i32 to index
      %parallel_loop3A_183 = tpu.vector_load %arg9[%parallel_loop3A_182] {strides = array<i32>} : memref<12800xf32, #tpu.memory_space<vmem>>, vector<16xf32>,
      %parallel_loop3A_184 = tpu.vector_load_idx %arg6[%parallel_loop3A_181] : memref<50000xi32, #tpu.memory_space<vmem>>[vector<16xi32>], vector<16xi32>,
      %parallel_loop3A_185 = arith.andi %parallel_loop3A_184, %broadcast_in_dim3A_17 : vector<16xi32>
      %parallel_loop3A_186 = vector.bitcast %parallel_loop3A_185 : vector<16xi32> to vector<16xf32>
      %parallel_loop3A_187 = arith.andi %parallel_loop3A_184, %broadcast_in_dim3A_15 : vector<16xi32>
      %parallel_loop3A_188 = arith.mulf %parallel_loop3A_183, %parallel_loop3A_186 : vector<16xf32>
      tpu.vector_store_idx %arg12[%parallel_loop3A_187], %parallel_loop3A_188 {add = true} : memref<1024xf32, #tpu.memory_space<vmem>>[vector<16xi32>], vector<16xf32>,
    } {sc.loop_unroll_factor = 4 : i64, sc.parallel_access}
    %add3A_125 = arith.constant 96 : i32
    %add3A_126 = arith.addi %add3A, %add3A_125 : i32
    %min3A_127 = arith.constant 124 : i32
    %min3A_128 = arith.minsi %add3A_126, %min3A_127 : i32
    %mul3A_129 = arith.constant 12800 : i32
    %mul3A_130 = arith.muli %min3A_128, %mul3A_129 : i32
    %multiple_of3A_131 = tpu.assume_multiple %mul3A_130, 128 : i32
    %dma_wait3A_132 = arith.constant 0 : i32
    %dma_wait3A_133 = tpu.memref_slice %arg3[%dma_wait3A_132, %multiple_of3A_131] : memref<2x1600000xi32, #tpu.memory_space<hbm>> -> memref<2x12800xi32, #tpu.memory_space<hbm>>
    %dma_wait3A_134 = arith.constant 0 : i32
    %dma_wait3A_135 = tpu.memref_slice %arg3[%dma_wait3A_134, %multiple_of3A_131] : memref<2x1600000xi32, #tpu.memory_space<hbm>> -> memref<2x12800xi32, #tpu.memory_space<hbm>>
    tpu.wait_dma2 semaphore(%arg15 : memref<!tpu.dma_semaphore, #tpu.memory_space<semaphore_mem>>) src(%dma_wait3A_135 : memref<2x12800xi32, #tpu.memory_space<hbm>>) dst(%arg8 : memref<2x12800xi32, #tpu.memory_space<vmem>>)
    %add3A_136 = arith.constant 96 : i32
    %add3A_137 = arith.addi %add3A, %add3A_136 : i32
    %min3A_138 = arith.constant 124 : i32
    %min3A_139 = arith.minsi %add3A_137, %min3A_138 : i32
    %mul3A_140 = arith.constant 12800 : i32
    %mul3A_141 = arith.muli %min3A_139, %mul3A_140 : i32
    %multiple_of3A_142 = tpu.assume_multiple %mul3A_141, 128 : i32
    %dma_wait3A_143 = tpu.memref_slice %arg2[%multiple_of3A_142] : memref<1600000xf32, #tpu.memory_space<hbm>> -> memref<12800xf32, #tpu.memory_space<hbm>>
    %dma_wait3A_144 = tpu.memref_slice %arg2[%multiple_of3A_142] : memref<1600000xf32, #tpu.memory_space<hbm>> -> memref<12800xf32, #tpu.memory_space<hbm>>
    tpu.wait_dma2 semaphore(%arg17 : memref<!tpu.dma_semaphore, #tpu.memory_space<semaphore_mem>>) src(%dma_wait3A_144 : memref<12800xf32, #tpu.memory_space<hbm>>) dst(%arg10 : memref<12800xf32, #tpu.memory_space<vmem>>)
    %add3A_145 = arith.constant 96 : i32
    %add3A_146 = arith.addi %add3A, %add3A_145 : i32
    %lt3A = arith.constant 125 : i32
    %lt3A_147 = arith.cmpi slt, %add3A_146, %lt3A : i32
    %convert_element_type3A = arith.extui %lt3A_147 : i1 to i32
    %cond3A = arith.constant 0 : i32
    %cond3A_148 = arith.cmpi ne, %convert_element_type3A, %cond3A : i32
    scf.if %cond3A_148 {
      %parallel_loop3A_152 = arith.constant 0 : i32
      %parallel_loop3A_153 = arith.constant 400 : i32
      %parallel_loop3A_154 = arith.constant 1 : i32
      scf.for %parallel_loop3A_155 = %parallel_loop3A_152 to %parallel_loop3A_153 step %parallel_loop3A_154  : i32 {
        %parallel_loop3A_156 = arith.constant 2 : i32
        %parallel_loop3A_157 = arith.muli %parallel_loop3A_155, %parallel_loop3A_156 : i32
        %parallel_loop3A_158 = arith.constant 0 : i32
        %parallel_loop3A_159 = arith.addi %parallel_loop3A_157, %parallel_loop3A_158 : i32
        %parallel_loop3A_160 = arith.constant 16 : i32
        %parallel_loop3A_161 = arith.muli %parallel_loop3A_159, %parallel_loop3A_160 : i32
        %parallel_loop3A_162 = tpu.assume_multiple %parallel_loop3A_161, 16 : i32
        %parallel_loop3A_163 = arith.constant 1 : i32
        %parallel_loop3A_164 = arith.index_cast %parallel_loop3A_163 : i32 to index
        %parallel_loop3A_165 = arith.index_cast %parallel_loop3A_162 : i32 to index
        %parallel_loop3A_166 = tpu.vector_load %arg8[%parallel_loop3A_164, %parallel_loop3A_165] {strides = array<i32>} : memref<2x12800xi32, #tpu.memory_space<vmem>>, vector<16xi32>,
        %parallel_loop3A_167 = arith.index_cast %parallel_loop3A_162 : i32 to index
        %parallel_loop3A_168 = tpu.vector_load %arg10[%parallel_loop3A_167] {strides = array<i32>} : memref<12800xf32, #tpu.memory_space<vmem>>, vector<16xf32>,
        %parallel_loop3A_169 = tpu.vector_load_idx %arg6[%parallel_loop3A_166] : memref<50000xi32, #tpu.memory_space<vmem>>[vector<16xi32>], vector<16xi32>,
        %parallel_loop3A_170 = arith.andi %parallel_loop3A_169, %broadcast_in_dim3A_17 : vector<16xi32>
        %parallel_loop3A_171 = vector.bitcast %parallel_loop3A_170 : vector<16xi32> to vector<16xf32>
        %parallel_loop3A_172 = arith.andi %parallel_loop3A_169, %broadcast_in_dim3A_15 : vector<16xi32>
        %parallel_loop3A_173 = arith.mulf %parallel_loop3A_168, %parallel_loop3A_171 : vector<16xf32>
        tpu.vector_store_idx %arg11[%parallel_loop3A_172], %parallel_loop3A_173 {add = true} : memref<1024xf32, #tpu.memory_space<vmem>>[vector<16xi32>], vector<16xf32>,
        %parallel_loop3A_174 = arith.constant 2 : i32
        %parallel_loop3A_175 = arith.muli %parallel_loop3A_155, %parallel_loop3A_174 : i32
        %parallel_loop3A_176 = arith.constant 1 : i32
        %parallel_loop3A_177 = arith.addi %parallel_loop3A_175, %parallel_loop3A_176 : i32
        %parallel_loop3A_178 = arith.constant 16 : i32
        %parallel_loop3A_179 = arith.muli %parallel_loop3A_177, %parallel_loop3A_178 : i32
        %parallel_loop3A_180 = tpu.assume_multiple %parallel_loop3A_179, 16 : i32
        %parallel_loop3A_181 = arith.constant 1 : i32
        %parallel_loop3A_182 = arith.index_cast %parallel_loop3A_181 : i32 to index
        %parallel_loop3A_183 = arith.index_cast %parallel_loop3A_180 : i32 to index
        %parallel_loop3A_184 = tpu.vector_load %arg8[%parallel_loop3A_182, %parallel_loop3A_183] {strides = array<i32>} : memref<2x12800xi32, #tpu.memory_space<vmem>>, vector<16xi32>,
        %parallel_loop3A_185 = arith.index_cast %parallel_loop3A_180 : i32 to index
        %parallel_loop3A_186 = tpu.vector_load %arg10[%parallel_loop3A_185] {strides = array<i32>} : memref<12800xf32, #tpu.memory_space<vmem>>, vector<16xf32>,
        %parallel_loop3A_187 = tpu.vector_load_idx %arg6[%parallel_loop3A_184] : memref<50000xi32, #tpu.memory_space<vmem>>[vector<16xi32>], vector<16xi32>,
        %parallel_loop3A_188 = arith.andi %parallel_loop3A_187, %broadcast_in_dim3A_17 : vector<16xi32>
        %parallel_loop3A_189 = vector.bitcast %parallel_loop3A_188 : vector<16xi32> to vector<16xf32>
        %parallel_loop3A_190 = arith.andi %parallel_loop3A_187, %broadcast_in_dim3A_15 : vector<16xi32>
        %parallel_loop3A_191 = arith.mulf %parallel_loop3A_186, %parallel_loop3A_189 : vector<16xf32>
        tpu.vector_store_idx %arg12[%parallel_loop3A_190], %parallel_loop3A_191 {add = true} : memref<1024xf32, #tpu.memory_space<vmem>>[vector<16xi32>], vector<16xf32>,
      } {sc.loop_unroll_factor = 4 : i64, sc.parallel_access}
    } else {
    }
    %parallel_loop3A_149 = arith.constant 0 : i32
    %parallel_loop3A_150 = arith.constant 64 : i32
    %parallel_loop3A_151 = arith.constant 1 : i32
    scf.for %parallel_loop3A_152 = %parallel_loop3A_149 to %parallel_loop3A_150 step %parallel_loop3A_151  : i32 {
      %parallel_loop3A_153 = arith.constant 16 : i32
      %parallel_loop3A_154 = arith.muli %parallel_loop3A_152, %parallel_loop3A_153 : i32
      %parallel_loop3A_155 = tpu.assume_multiple %parallel_loop3A_154, 16 : i32
      %parallel_loop3A_156 = arith.index_cast %parallel_loop3A_155 : i32 to index
      %parallel_loop3A_157 = tpu.vector_load %arg11[%parallel_loop3A_156] {strides = array<i32>} : memref<1024xf32, #tpu.memory_space<vmem>>, vector<16xf32>,
      %parallel_loop3A_158 = arith.index_cast %parallel_loop3A_155 : i32 to index
      %parallel_loop3A_159 = tpu.vector_load %arg12[%parallel_loop3A_158] {strides = array<i32>} : memref<1024xf32, #tpu.memory_space<vmem>>, vector<16xf32>,
      %parallel_loop3A_160 = arith.addf %parallel_loop3A_157, %parallel_loop3A_159 : vector<16xf32>
      %parallel_loop3A_161 = arith.constant 8 : i32
      %parallel_loop3A_162 = arith.divsi %parallel_loop3A_152, %parallel_loop3A_161 : i32
      %parallel_loop3A_163 = arith.constant 0 : i32
      %parallel_loop3A_164 = arith.cmpi sgt, %parallel_loop3A_152, %parallel_loop3A_163 : i32
      %parallel_loop3A_165 = arith.extui %parallel_loop3A_164 : i1 to i32
      %parallel_loop3A_166 = arith.constant 0 : i32
      %parallel_loop3A_167 = arith.cmpi slt, %parallel_loop3A_152, %parallel_loop3A_166 : i32
      %parallel_loop3A_168 = arith.extui %parallel_loop3A_167 : i1 to i32
      %parallel_loop3A_169 = arith.subi %parallel_loop3A_165, %parallel_loop3A_168 : i32
      %parallel_loop3A_170 = arith.constant 0 : i32
      %parallel_loop3A_171 = arith.cmpi sgt, %parallel_loop3A_161, %parallel_loop3A_170 : i32
      %parallel_loop3A_172 = arith.extui %parallel_loop3A_171 : i1 to i32
      %parallel_loop3A_173 = arith.constant 0 : i32
      %parallel_loop3A_174 = arith.cmpi slt, %parallel_loop3A_161, %parallel_loop3A_173 : i32
      %parallel_loop3A_175 = arith.extui %parallel_loop3A_174 : i1 to i32
      %parallel_loop3A_176 = arith.subi %parallel_loop3A_172, %parallel_loop3A_175 : i32
      %parallel_loop3A_177 = arith.cmpi ne, %parallel_loop3A_169, %parallel_loop3A_176 : i32
      %parallel_loop3A_178 = arith.remsi %parallel_loop3A_152, %parallel_loop3A_161 : i32
      %parallel_loop3A_179 = arith.constant 0 : i32
      %parallel_loop3A_180 = arith.cmpi ne, %parallel_loop3A_178, %parallel_loop3A_179 : i32
      %parallel_loop3A_181 = arith.andi %parallel_loop3A_177, %parallel_loop3A_180 : i1
      %parallel_loop3A_182 = arith.constant 1 : i32
      %parallel_loop3A_183 = arith.subi %parallel_loop3A_162, %parallel_loop3A_182 : i32
      %parallel_loop3A_184 = arith.select %parallel_loop3A_181, %parallel_loop3A_183, %parallel_loop3A_162 : i32
      %parallel_loop3A_185 = arith.constant 8 : i32
      %parallel_loop3A_186 = arith.constant 0 : i32
      %parallel_loop3A_187 = arith.cmpi eq, %parallel_loop3A_185, %parallel_loop3A_186 : i32
      %parallel_loop3A_188 = arith.constant 1 : i32
      %parallel_loop3A_189 = arith.select %parallel_loop3A_187, %parallel_loop3A_188, %parallel_loop3A_185 : i32
      %parallel_loop3A_190 = arith.remsi %parallel_loop3A_152, %parallel_loop3A_189 : i32
      %parallel_loop3A_191 = arith.constant 0 : i32
      %parallel_loop3A_192 = arith.cmpi ne, %parallel_loop3A_190, %parallel_loop3A_191 : i32
      %parallel_loop3A_193 = arith.constant 0 : i32
      %parallel_loop3A_194 = arith.cmpi slt, %parallel_loop3A_190, %parallel_loop3A_193 : i32
      %parallel_loop3A_195 = arith.constant 0 : i32
      %parallel_loop3A_196 = arith.cmpi slt, %parallel_loop3A_189, %parallel_loop3A_195 : i32
      %parallel_loop3A_197 = arith.xori %parallel_loop3A_194, %parallel_loop3A_196 : i1
      %parallel_loop3A_198 = arith.andi %parallel_loop3A_197, %parallel_loop3A_192 : i1
      %parallel_loop3A_199 = arith.addi %parallel_loop3A_190, %parallel_loop3A_189 : i32
      %parallel_loop3A_200 = arith.select %parallel_loop3A_198, %parallel_loop3A_199, %parallel_loop3A_190 : i32
      %parallel_loop3A_201 = arith.constant 16 : i32
      %parallel_loop3A_202 = arith.muli %parallel_loop3A_200, %parallel_loop3A_201 : i32
      %parallel_loop3A_203 = tpu.assume_multiple %parallel_loop3A_202, 16 : i32
      %parallel_loop3A_204 = arith.index_cast %parallel_loop3A_184 : i32 to index
      %parallel_loop3A_205 = arith.index_cast %parallel_loop3A_203 : i32 to index
      %parallel_loop3A_206 = tpu.vector_load %arg13[%parallel_loop3A_204, %parallel_loop3A_205] {strides = array<i32>} : memref<8x128xf32, #tpu.memory_space<vmem>>, vector<16xf32>,
      tpu.vector_store %arg13[%parallel_loop3A_204, %parallel_loop3A_205], %parallel_loop3A_160 {strides = array<i32>} : memref<8x128xf32, #tpu.memory_space<vmem>>, vector<16xf32>,
    } {sc.loop_unroll_factor = 1 : i64, sc.parallel_access}
    "tpu.region"() ({
      %run_scoped3A = tpu.sem_alloc : memref<!tpu.dma_semaphore, #tpu.memory_space<semaphore_mem>>
      %dma_start3A_152 = arith.constant 0 : i32
      %dma_start3A_153 = arith.constant 0 : i32
      %dma_start3A_154 = tpu.memref_slice %arg5[%add3A, %dma_start3A_152, %dma_start3A_153] : memref<32x8x128xf32, #tpu.memory_space<hbm>> -> memref<1x8x128xf32, #tpu.memory_space<hbm>>
      %dma_start3A_155 = tpu.memref_squeeze %dma_start3A_154 : memref<1x8x128xf32, #tpu.memory_space<hbm>> -> memref<8x128xf32, #tpu.memory_space<hbm>>
      %dma_start3A_156 = arith.constant 0 : i32
      %dma_start3A_157 = arith.constant 0 : i32
      %dma_start3A_158 = tpu.memref_slice %arg5[%add3A, %dma_start3A_156, %dma_start3A_157] : memref<32x8x128xf32, #tpu.memory_space<hbm>> -> memref<1x8x128xf32, #tpu.memory_space<hbm>>
      %dma_start3A_159 = tpu.memref_squeeze %dma_start3A_158 : memref<1x8x128xf32, #tpu.memory_space<hbm>> -> memref<8x128xf32, #tpu.memory_space<hbm>>
      tpu.enqueue_dma source(%arg13 : memref<8x128xf32, #tpu.memory_space<vmem>>) target(%dma_start3A_159 : memref<8x128xf32, #tpu.memory_space<hbm>>) target_semaphore(%run_scoped3A : memref<!tpu.dma_semaphore, #tpu.memory_space<semaphore_mem>>)
      %dma_wait3A_160 = arith.constant 0 : i32
      %dma_wait3A_161 = arith.constant 0 : i32
      %dma_wait3A_162 = tpu.memref_slice %arg5[%add3A, %dma_wait3A_160, %dma_wait3A_161] : memref<32x8x128xf32, #tpu.memory_space<hbm>> -> memref<1x8x128xf32, #tpu.memory_space<hbm>>
      %dma_wait3A_163 = tpu.memref_squeeze %dma_wait3A_162 : memref<1x8x128xf32, #tpu.memory_space<hbm>> -> memref<8x128xf32, #tpu.memory_space<hbm>>
      %dma_wait3A_164 = arith.constant 0 : i32
      %dma_wait3A_165 = arith.constant 0 : i32
      %dma_wait3A_166 = tpu.memref_slice %arg5[%add3A, %dma_wait3A_164, %dma_wait3A_165] : memref<32x8x128xf32, #tpu.memory_space<hbm>> -> memref<1x8x128xf32, #tpu.memory_space<hbm>>
      %dma_wait3A_167 = tpu.memref_squeeze %dma_wait3A_166 : memref<1x8x128xf32, #tpu.memory_space<hbm>> -> memref<8x128xf32, #tpu.memory_space<hbm>>
      tpu.wait_dma2 semaphore(%run_scoped3A : memref<!tpu.dma_semaphore, #tpu.memory_space<semaphore_mem>>) src(%arg13 : memref<8x128xf32, #tpu.memory_space<vmem>>) dst(%dma_wait3A_167 : memref<8x128xf32, #tpu.memory_space<hbm>>)
      tpu.yield
    }) : () -> ()
    return
  }
}

module attributes {stable_mosaic.version = 14 : i64} {
  func.func @_combine_body(%arg0: memref<32x8x128xf32, #tpu.memory_space<vmem>>, %arg1: memref<8x128xf32, #tpu.memory_space<vmem>>, %arg2: memref<8x128xf32, #tpu.memory_space<vmem>>) attributes {dimension_semantics = [], scalar_prefetch = 0 : i64, scratch_operands = 0 : i64, tpu.core_type = #tpu.core_type<tc>} {
    %get3A = arith.constant 0 : index
    %get3A_0 = arith.constant 0 : index
    %get3A_1 = arith.constant 0 : index
    %get3A_2 = vector.load %arg0[%get3A, %get3A_0, %get3A_1] : memref<32x8x128xf32, #tpu.memory_space<vmem>>, vector<32x8x128xf32>
    %reduce_sum3A = arith.constant dense<0.000000e+00> : vector<8x128xf32>
    %reduce_sum3A_3 = vector.multi_reduction <add>, %get3A_2, %reduce_sum3A [0] : vector<32x8x128xf32> to vector<8x128xf32>
    %get3A_4 = arith.constant 0 : index
    %get3A_5 = arith.constant 0 : index
    %get3A_6 = vector.load %arg1[%get3A_4, %get3A_5] : memref<8x128xf32, #tpu.memory_space<vmem>>, vector<8x128xf32>
    %sub3A = arith.subf %reduce_sum3A_3, %get3A_6 : vector<8x128xf32>
    %abs3A = math.absf %sub3A : vector<8x128xf32>
    %iota3A = tpu.iota {dimensions = array<i32: 0>} : vector<8x128xi32>
    %mul3A = arith.constant 128 : i32
    %mul3A_7 = vector.broadcast %mul3A : i32 to vector<8x128xi32>
    %mul3A_8 = arith.muli %iota3A, %mul3A_7 : vector<8x128xi32>
    %iota3A_9 = tpu.iota {dimensions = array<i32: 1>} : vector<8x128xi32>
    %add3A = arith.addi %mul3A_8, %iota3A_9 : vector<8x128xi32>
    %lt3A = arith.constant 1000 : i32
    %lt3A_10 = vector.broadcast %lt3A : i32 to vector<8x128xi32>
    %lt3A_11 = arith.cmpi slt, %add3A, %lt3A_10 : vector<8x128xi32>
    %jit3A = arith.constant 0.000000e+00 : f32
    %broadcast_in_dim3A = vector.broadcast %jit3A : f32 to vector<8x128xf32>
    %select_n3A = arith.select %lt3A_11, %abs3A, %broadcast_in_dim3A : vector<8x128xi1>, vector<8x128xf32>
    %reduce_sum3A_12 = vector.shape_cast %select_n3A : vector<8x128xf32> to vector<1x8x128xf32>
    %reduce_sum3A_13 = arith.constant dense<0.000000e+00> : vector<1xf32>
    %reduce_sum3A_14 = vector.multi_reduction <add>, %reduce_sum3A_12, %reduce_sum3A_13 [1, 2] : vector<1x8x128xf32> to vector<1xf32>
    %reduce_sum3A_15 = vector.shape_cast %reduce_sum3A_14 : vector<1xf32> to vector<1x1x1xf32>
    %reduce_sum3A_16 = vector.extract %reduce_sum3A_15[0, 0, 0] : f32 from vector<1x1x1xf32>
    %mul3A_17 = arith.constant 1.000000e-03 : f32
    %mul3A_18 = arith.mulf %reduce_sum3A_16, %mul3A_17 : f32
    %broadcast_in_dim3A_19 = arith.constant 0.000000e+00 : f32
    %broadcast_in_dim3A_20 = vector.broadcast %broadcast_in_dim3A_19 : f32 to vector<8x128xf32>
    %add3A_21 = vector.broadcast %mul3A_18 : f32 to vector<8x128xf32>
    %add3A_22 = arith.addf %broadcast_in_dim3A_20, %add3A_21 : vector<8x128xf32>
    %swap3A = arith.constant 0 : index
    %swap3A_23 = arith.constant 0 : index
    %swap3A_24 = vector.load %arg2[%swap3A, %swap3A_23] : memref<8x128xf32, #tpu.memory_space<vmem>>, vector<8x128xf32>
    tpu.vector_store %arg2[%swap3A, %swap3A_23], %add3A_22 {strides = array<i32>} : memref<8x128xf32, #tpu.memory_space<vmem>>, vector<8x128xf32>,
    return
  }
}

</mosaic_0001>

<sc_bundles>
// kernel: kernel.4.cloned.1.call-start
scs
__scs_entry_jumppad:
0x0: {  	(pc) =	sbr.rel $0x88, $3  }
0x1: {  	(tag) =	ssettag $0x0;
	lr =	simm.s32 $0x1  }
0x2: {  	[smem:$0x3F9C] =	sst lr;
	_ =	strace $0xD0000000  }
0x3: {  	_ = 	snop  }
0x4: {  	_ = 	snop  }
0x5: {  	_ = 	snop  }
0x6: {  	_ = 	snop  }
0x7: {  	_ = 	snop  }
__scs_overlays_trampoline_lowered:
0x8: {  	[smem:$0x3FAB] =	sst s0  }
0x9: {  	[smem:$0x3FAC] =	sst s1  }
0xa: {  	[smem:$0x3FAD] =	sst s2  }
0xb: {  	[smem:$0x3FAE] =	sst s3  }
0xc: {  	[smem:$0x3FAF] =	sst s4  }
0xd: {  	[smem:$0x3FB0] =	sst s5  }
0xe: {  	[smem:$0x3FB1] =	sst s6  }
0xf: {  	[smem:$0x3FB2] =	sst s7  }
0x10: {  	[smem:$0x3FB3] =	sst s8  }
0x11: {  	[smem:$0x3FB4] =	sst s9;
	s0 =	simm.s32 @!p0 $0x0  }
0x12: {  	s1 =	sld [smem:$0x3F9A];
	s0 =	simm.s32 @p0 $0x1  }
0x13: {  	[smem:$0x3FB5] =	sst s0;
	s0 =	simm.s32 @!p1 $0x0  }
0x14: {  	s2 =	sld [smem:$0x3F99];
	s0 =	simm.s32 @p1 $0x1  }
0x15: {  	[smem:$0x3FB6] =	sst s0;
	s0 =	simm.s32 @!p2 $0x0  }
0x16: {  	s3 =	sld [smem:$0x3FDB];
	s0 =	simm.s32 @p2 $0x1  }
0x17: {  	s4 =	simm.s32 $0x1BF5;
	[smem:$0x3FB8] =	sst s0  }
0x18: {  	s0 =	sld [smem:$0x3F9B];
	_ =	swait.ge [sflag:s4], $0x0  }
0x19: {  	s7 =	sld [smem:$0x3F9C]  }
0x1a: {  	s8 =	sadd.s32 $0xFFFFE003, lr  }
0x1b: {  	s9 =	sadd.s32 $0xFFFFFEF7, lr;
	s5 =	simm.s32 $0xFFFFFFFF;
	p2 =	slt.u32 s8, $0xFFFFF086  }
0x1c: {  	p1 =	slt.u32 s9, $0xF7A;
	s5 =	simm.s32 @!p2 $0x0  }
0x1d: {  	s5 =	simm.s32 @p1 $0x1;
	p0 =	seq.s32 s7, s2  }
0x1e: {  	s7 =	smul.u32 @!p0 $0xF7A, s2;
	p2 =	seq.s32 @!p0 s5, $0x0  }
0x1f: {  	s9 =	smul.u32 $0xF7A, s1;
	s8 =	simm.s32 @!p0 $0x1BF5;
	p2 =	por !p2, p0  }
0x20: {  	[sflag:s8] =	ssyncset.s32 @!p0 $0xFFFFF086;
	s6 =	sadd.s32 @!p0 s3, s7;
	s7 =	simm.s32 @!p0 $0x108  }
0x21: {  	s3 =	sadd.s32 s3, s9;
	s6 =	sadd.s32 @!p0 $0x88, s6;
	s7 =	simm.s32 @p2 $0x1082  }
0x22: {  	[simem:s7], [sflag:s8] =	dma.local @!p0 [hbm:s6], $0xF7A  }
0x23: {  	s9 =	sor.u32 $0xD0000000, s2;
	s6 =	simm.s32 $0x108;
	_ =	swait.ge @!p0 [sflag:s8], $0x0  }
0x24: {  	s3 =	sadd.s32 $0x88, s3;
	s6 =	simm.s32 @!p1 $0x1082;
	[sflag:s4] =	ssyncset.s32 $0xFFFFF086  }
0x25: {  	[simem:s6], [sflag:s4] =	dma.local [hbm:s3], $0xF7A  }
0x26: {  	[smem:$0x3F9C] =	sst s1;
	(tag) =	ssettag s2;
	_ =	strace s9  }
0x27: {  	s1 =	sld [smem:$0x3FAC]  }
0x28: {  	s2 =	sld [smem:$0x3FAD]  }
0x29: {  	s4 =	sld [smem:$0x3FAF]  }
0x2a: {  	p0 =	seq.s32 s5, $0x0;
	s5 =	sld [smem:$0x3FB0]  }
0x2b: {  	s6 =	sld [smem:$0x3FB1]  }
0x2c: {  	s7 =	sld [smem:$0x3FB2]  }
0x2d: {  	s3 =	simm.s32 $0x108;
	s8 =	sld [smem:$0x3FB3]  }
0x2e: {  	s3 =	simm.s32 @!p0 $0x1082;
	s9 =	sld [smem:$0x3FB4]  }
0x2f: {  	lr =	sadd.s32 s0, s3;
	s0 =	sld [smem:$0x3FAB]  }
0x30: {  	s3 =	sld [smem:$0x3FAE]  }
0x31: {  	[smem:$0x3FB7] =	sst s10  }
0x32: {  	s10 =	sld [smem:$0x3FB5];
	_ =	sdelay $0x3  }
0x33: {  	p0 =	seq.s32 s10, $0x1;
	s10 =	sld [smem:$0x3FB7];
	_ =	sdelay $0x3  }
0x34: {  	[smem:$0x3FB7] =	sst s10  }
0x35: {  	s10 =	sld [smem:$0x3FB6];
	_ =	sdelay $0x3  }
0x36: {  	p1 =	seq.s32 s10, $0x1;
	s10 =	sld [smem:$0x3FB7];
	_ =	sdelay $0x3  }
0x37: {  	[smem:$0x3FB7] =	sst s10  }
0x38: {  	s10 =	sld [smem:$0x3FB8]  }
0x39: {  	_ = 	snop;
	(pc) =	sbr.ind lr, $3  }
0x3a: {  	_ = 	snop  }
0x3b: {  	_ = 	snop  }
0x3c: {  	p2 =	seq.s32 s10, $0x1;
	s10 =	sld [smem:$0x3FB7]  }
0x3d: {  	_ =	shalt  }
0x3e: {  	_ =	shalt  }
0x3f: {  	_ =	shalt  }
0x40: {  	_ =	shalt  }
0x41: {  	_ =	shalt  }
0x42: {  	_ =	shalt  }
0x43: {  	_ =	shalt  }
0x44: {  	_ =	shalt  }
0x45: {  	_ =	shalt  }
0x46: {  	_ =	shalt  }
0x47: {  	_ =	shalt  }
0x48: {  	_ =	shalt  }
0x49: {  	_ =	shalt  }
0x4a: {  	_ =	shalt  }
0x4b: {  	_ =	shalt  }
0x4c: {  	_ =	shalt  }
0x4d: {  	_ =	shalt  }
0x4e: {  	_ =	shalt  }
0x4f: {  	_ =	shalt  }
0x50: {  	_ =	shalt  }
0x51: {  	_ =	shalt  }
0x52: {  	_ =	shalt  }
0x53: {  	_ =	shalt  }
0x54: {  	_ =	shalt  }
0x55: {  	_ =	shalt  }
0x56: {  	_ =	shalt  }
0x57: {  	_ =	shalt  }
0x58: {  	_ =	shalt  }
0x59: {  	_ =	shalt  }
0x5a: {  	_ =	shalt  }
0x5b: {  	_ =	shalt  }
0x5c: {  	_ =	shalt  }
0x5d: {  	_ =	shalt  }
0x5e: {  	_ =	shalt  }
0x5f: {  	_ =	shalt  }
0x60: {  	_ =	shalt  }
0x61: {  	_ =	shalt  }
0x62: {  	_ =	shalt  }
0x63: {  	_ =	shalt  }
0x64: {  	_ =	shalt  }
0x65: {  	_ =	shalt  }
0x66: {  	_ =	shalt  }
0x67: {  	_ =	shalt  }
0x68: {  	_ =	shalt  }
0x69: {  	_ =	shalt  }
0x6a: {  	_ =	shalt  }
0x6b: {  	_ =	shalt  }
0x6c: {  	_ =	shalt  }
0x6d: {  	_ =	shalt  }
0x6e: {  	_ =	shalt  }
0x6f: {  	_ =	shalt  }
0x70: {  	_ =	shalt  }
0x71: {  	_ =	shalt  }
0x72: {  	_ =	shalt  }
0x73: {  	_ =	shalt  }
0x74: {  	_ =	shalt  }
0x75: {  	_ =	shalt  }
0x76: {  	_ =	shalt  }
0x77: {  	_ =	shalt  }
0x78: {  	_ =	shalt  }
0x79: {  	_ =	shalt  }
0x7a: {  	_ =	shalt  }
0x7b: {  	_ =	shalt  }
0x7c: {  	_ =	shalt  }
0x7d: {  	_ =	shalt  }
0x7e: {  	_ =	shalt  }
0x7f: {  	_ =	shalt  }
0x80: {  	_ =	shalt  }
0x81: {  	_ =	shalt  }
0x82: {  	_ =	shalt  }
0x83: {  	_ =	shalt  }
0x84: {  	_ =	shalt  }
0x85: {  	_ =	shalt  }
0x86: {  	_ =	shalt  }
0x87: {  	_ =	shalt  }
.Lfunc_end0:
.L_simem_size_0:
called_computation_lowered:
.L_overlay_start_0:
0x88: {  	s2 =	sld [smem:$0x3FD9]  }
0x89: {  	s3 =	sld [smem:$0x3FFE];
	_ =	sdelay $0x1  }
0x8a: {  	s1 =	srdreg.scid  }
0x8b: {  	s0 =	sand.u32 $0x1, s1  }
0x8c: {  	s17 =	sshll.u32 s0, $0xA;
	s2 =	sadd.s32 s3, s2  }
0x8d: {  	s2 =	sadd.s32 s2, s17  }
0x8e: {  	[smem:$0x3FC3] =	sst s2  }
0x8f: {  	_ = 	snop  }
0x90: {  	s2 =	sld [smem:$0x3FC9]  }
0x91: {  	s18 =	sld [smem:$0x3FC8];
	(tm) =	ssettm $0x1  }
0x92: {  	s4 =	sld [smem:$0x3FFB];
	_ =	sdelay $0x3  }
0x93: {  	_ =	strace s4  }
0x94: {  	s4 =	sld [smem:$0x3FFC];
	_ =	sdelay $0x3  }
0x95: {  	_ =	strace s4  }
0x96: {  	s4 =	sld [smem:$0x3FFD];
	_ =	sdelay $0x3  }
0x97: {  	_ =	strace s4  }
0x98: {  	_ =	strace $0x8FFFFFFF  }
0x99: {  	s19 =	sld [smem:$0x3FDB];
	_ =	sdelay $0x1  }
0x9a: {  	s5 =	simm.s32 $_scs_section_size  }
0x9b: {  	s6 =	simm.s32 $_size__tile_overlayer_lowered;
	s7 =	simm.s32 $_tile_overlayer_lowered  }
0x9c: {  	s22 =	simm.s32 $0x1BFF;
	s21 =	sshll.u32 s7, $0x1;
	s4 =	sadd.s32 s5, s19  }
0x9d: {  	s8 =	simm.s32 $0x0;
	s20 =	sshll.u32 s6, $0x1;
	s6 =	sadd.s32 s21, s4  }
0x9e: {  	[timem:s8], [sflag:s22] =	dma.local [hbm:s6], s20  }
0x9f: {  	_ =	swait.ge [sflag:s22], s20  }
0xa0: {  	s5 =	ssub.s32 $0x0, s20;
	[sflag:s22] =	ssyncset.done $0x0  }
0xa1: {  	[sflag:s22] =	ssyncadd.s32 s5;
	_ =	sdelay $0x1  }
0xa2: {  	s23 =	simm.s32 $0x1B8B  }
0xa3: {  	_ =	swait.ge [sflag:s23], $0x1  }
0xa4: {  	[sflag:s23] =	ssyncset.done $0x0  }
0xa5: {  	s25 =	simm.s32 $0x1B8E;
	s24 =	sld [smem:$0x3FFE];
	[sflag:s23] =	ssyncadd.s32 $0xFFFFFFFF  }
0xa6: {  	s26 =	simm.s32 $execute0_lowered;
	[smem:$0x3FD2] =	sst s25  }
0xa7: {  	s6 =	sshll.u32 s26, $0x1;
	_ =	strace $0x80000046;
	[dreg:$0x1] =	wrdreg $0xFFFFFFFF  }
0xa8: {  	s28 =	simm.s32 $_size_execute0_lowered;
	s4 =	sadd.s32 s4, s6;
	[dreg:$0x0] =	wrdreg $0x0  }
0xa9: {  	s6 =	sshll.u32 s28, $0x1;
	[dreg:$0x2] =	wrdreg s4  }
0xaa: {  	[dreg:$0x3] =	wrdreg s6  }
0xab: {  	[dreg:$0x4] =	wrdreg $0xC0  }
0xac: {  	_ =	task [dreg:s8], $0x5FFFF  }
0xad: {  	[dreg:$0x1] =	wrdreg $0xFFFFFFFF  }
0xae: {  	[dreg:$0x0] =	wrdreg $0x60  }
0xaf: {  	[dreg:$0x2] =	wrdreg s2  }
0xb0: {  	[dreg:$0x3] =	wrdreg s18  }
0xb1: {  	[dreg:$0x4] =	wrdreg s24  }
0xb2: {  	[dreg:$0x5] =	wrdreg $0x9  }
0xb3: {  	_ =	task.clear_ibuf [dreg:s8], $0x6FFFF;
	_ =	strace $0x90000046  }
0xb4: {  	s29 =	simm.s32 $0x9;
	_ =	strace $0x80000048  }
0xb5: {  	_ =	swait.ge [sflag:s29], $0x1  }
0xb6: {  	[sflag:s29] =	ssyncadd.s32 $0xFFFFFFFF  }
0xb7: {  	_ =	strace $0x90000048  }
0xb8: {  	_ =	sfence  }
0xb9: {  	s30 =	sld [smem:$0x0];
	_ =	sdelay $0x2  }
0xba: {  	s31 =	sshll.u32 s1, $0xD;
	s1 =	sshrl.u32 s1, $0x2  }
0xbb: {  	s3 =	sand.u32 $0x4000, s31;
	s1 =	sadd.s32 s1, s30  }
0xbc: {  	s0 =	sor.u32 s3, s0;
	s1 =	sshll.u32 s1, $0x11  }
0xbd: {  	s0 =	sor.u32 s1, s0  }
0xbe: {  	s0 =	sadd.s32 $0x8F2B, s0  }
0xbf: {  	[sflag:s0] =	ssyncadd.remote.s32 $0x1  }
0xc0: {  	_ =	sfence.sel $0xFFFF  }
0xc1: {  	[dreg:$0x0] =	wrdreg $0xFFFFFFFF;
	(pc) =	sbr.abs _section_cstart, $3  }
0xc2: {  	[dreg:$0x1] =	wrdreg $0xFFFFFFFF  }
0xc3: {  	_ =	task.clear_ibuf [dreg:s8], $0x2FFFF;
	_ =	strace $0x9FFFFFFF  }
0xc4: {  	(tm) =	ssettm $0x7FFFFFFF  }
0xc5: {  	_ =	shalt  }
tec
execute0_lowered:
.L_overlay_start_1:
0x0: {  	(tag) =	ssettag $0x1  }
0x1: {  	s11 =	rddreg [dreg:$0x0]  }
0x2: {  	s0 =	srdreg.scid;
	s10 =	rddreg [dreg:$0x1]  }
0x3: {  	s5 =	rddreg [dreg:$0x2];
	s28 =	stileid.u32  }
0x4: {  	s2 =	simm.s32 $0x0;
	s18 =	simm.s32 $0x3;
	s19 =	simm.s32 $0x12780  }
0x5: {  	s20 =	simm.s32 $0x1BD80;
	s21 =	simm.s32 $0x1EF80;
	s4 =	sand.u32 $0x1, s0  }
0x6: {  	s22 =	simm.s32 $0x1F380;
	s23 =	simm.s32 $0x2;
	s3 =	sshll.u32 s4, $0x4  }
0x7: {  	s24 =	simm.s32 $0x4;
	[smem:$0x7FF] =	sst s2;
	s25 =	sor.u32 s28, s3  }
0x8: {  	s26 =	simm.s32 $0x0;
	_ =	strace $0x80000047;
	s6 =	smul.u32 $0xC80, s25  }
0x9: {  	s4 =	ssub.s32 $0x2, s4;
	s7 =	smul.u32 $0x640, s25;
	s8 =	sor.u32 $0x20, s25  }
0xa: {  	s3 =	sadd.s32 $0x800, s5;
	s15 =	sshrl.u32 s4, $0x1;
	s12 =	smul.u32 $0xC80, s8  }
0xb: {  	s9 =	sshll.u32 s25, $0x7;
	s29 =	sor.u32 $0x40, s25;
	s8 =	smul.u32 $0x640, s8  }
0xc: {  	s14 =	smin.u32 s25, $0x1C;
	s15 =	ssub.s32 s4, s15;
	s30 =	smul.u32 $0xC80, s29  }
0xd: {  	p0 =	sgt.u32 s25, $0x1C;
	s16 =	smul.u32 $0x640, s29;
	s14 =	sor.u32 $0x60, s14  }
0xe: {  	s25 =	simm.s32 $0x1F780;
	s13 =	sadd.s32 s9, s5;
	s17 =	smul.u32 $0xC80, s14  }
0xf: {  	s4 =	sadd.s32 s10, s6;
	s5 =	sadd.s32 s11, s7;
	s31 =	smul.u32 $0x640, s14  }
0x10: {  	s14 =	simm.s32 $0xC380;
	s6 =	sadd.s32 s10, s12;
	s7 =	sadd.s32 s11, s8  }
0x11: {  	s8 =	sadd.s32 s10, s30;
	s9 =	sadd.s32 s11, s16;
	s12 =	sadd.s32 $0x2200, s13  }
0x12: {  	s13 =	smax.u32 s15, $0x1;
	s15 =	simm.s32 $0x18B80;
	s16 =	simm.s32 $0x5  }
0x13: {  	v0 =	vimm.f32 $0.0e+00;
	s10 =	sadd.s32 s10, s17;
	s11 =	sadd.s32 s11, s31;
	s17 =	simm.s32 $0x1  }
.LBB2_1:
0x14: {  	[tilespmem:s14], [sflag:$0x1] =	stream.linear.gather [hbm4b:s4+s2], $0x6400, $0x38;
	[tilespmem:$0x1FB80] =	vst v63  }
0x15: {  	_ = 	snop  }
0x16: {  	[tilespmem:s15], [sflag:$0x3] =	stream.linear.gather [hbm4b:s5+s2], $0x3200, $0x38;
	[tilespmem:$0x1FB80] =	vst v63  }
0x17: {  	_ = 	snop  }
0x18: {  	[tilespmem:s2], [sflag:$0x5] =	stream.linear.gather [hbm4b:s3+s2], $0xC380, $0x38;
	[tilespmem:$0x1FB80] =	vst v63  }
0x19: {  	_ =	swait.ge [sflag:s16], $0xC380  }
0x1a: {  	[sflag:s16] =	ssyncset.done $0x0  }
0x1b: {  	s28 =	simm.s32 $0x40;
	s29 =	simm.s32 $0x0;
	[sflag:s16] =	ssyncadd.s32 $0xFFFF3C80  }
.LBB2_2:
0x1c: {  	p1 =	sne.s32 s28, $0xFC0;
	[tilespmem:s29+$0x1EF80] =	vst v0;
	s30 =	smov.u32 s28;
	s28 =	sadd.s32 $0x40, s28  }
.Ltmp0:
0x1d: {  	[tilespmem:s29+$0x1F380] =	vst v0;
	(pc) =	sbr.rel @p1 .LBB2_2-.Ltmp0, $2  }
0x1e: {  	_ =	sdelay $0x2  }
0x1f: {  	s29 =	sshra.s32 s30, $0x2  }
0x20: {  	[tilespmem:s29+$0x1EF80] =	vst v0  }
0x21: {  	[tilespmem:s29+$0x1F380] =	vst v0  }
0x22: {  	_ =	swait.ge [sflag:s17], $0x6400  }
0x23: {  	[sflag:s17] =	ssyncset.done $0x0  }
0x24: {  	[sflag:s17] =	ssyncadd.s32 $0xFFFF9C00  }
0x25: {  	_ =	swait.ge [sflag:s18], $0x3200  }
0x26: {  	[sflag:s18] =	ssyncset.done $0x0  }
0x27: {  	[sflag:s18] =	ssyncadd.s32 $0xFFFFCE00  }
0x28: {  	[tilespmem:s19], [sflag:$0x2] =	stream.linear.gather [hbm4b:s6+s2], $0x6400, $0x38;
	[tilespmem:$0x1FB80] =	vst v63  }
0x29: {  	s29 =	simm.s32 $0xC470  }
0x2a: {  	[tilespmem:s20], [sflag:$0x4] =	stream.linear.gather [hbm4b:s7+s2], $0x3200, $0x38;
	[tilespmem:$0x1FB80] =	vst v63  }
0x2b: {  	v1 =	vld [tilespmem:s29+$0xFFFFFFF0]  }
0x2c: {  	v2 =	vld [tilespmem:s29+$0xFFFFFFB0];
	_ =	sdelay $0x1  }
0x2d: {  	v3 =	vld [tilespmem:s29+$0xFFFFFF90];
	_ =	sdelay $0x3  }
0x2e: {  	v4 =	vld [tilespmem:s29+$0xFFFFFFD0]  }
0x2f: {  	v1 =	vld.idx.msk [tilespmem:v1+s2+$0x0], $0xffff  }
0x30: {  	s28 =	simm.s32 $0x18BC0;
	v2 =	vld.idx.msk [tilespmem:v2+s2+$0x0], $0xffff  }
0x31: {  	v5 =	vld [tilespmem:s28+$0x20]  }
0x32: {  	v3 =	vld.idx.msk [tilespmem:v3+s2+$0x0], $0xffff  }
0x33: {  	v6 =	vld [tilespmem:s28+$0xFFFFFFE0]  }
0x34: {  	v7 =	vand.u32 $0xFFFF, v1  }
0x35: {  	v8 =	vld [tilespmem:s28+$0xFFFFFFC0];
	v9 =	vand.u32 $0xFFFF, v2  }
0x36: {  	v4 =	vld.idx.msk [tilespmem:v4+s2+$0x0], $0xffff;
	v1 =	vand.u32 $0xFFFF0000, v1  }
0x37: {  	v11 =	vand.u32 $0xFFFF, v3;
	v2 =	vand.u32 $0xFFFF0000, v2;
	v1 =	vmul.f32 v1, v5  }
0x38: {  	v10 =	vld [tilespmem:s28+$0x0];
	v2 =	vmul.f32 v2, v6  }
0x39: {  	v3 =	vand.u32 $0xFFFF0000, v3;
	[tilespmem:v7+s21+$0x0] =	vst.idx.add.f32.msk $0xffff, v1  }
0x3a: {  	v3 =	vmul.f32 v3, v8;
	[tilespmem:v9+s21+$0x0] =	vst.idx.add.f32.msk $0xffff, v2  }
0x3b: {  	v5 =	vand.u32 $0xFFFF, v4;
	v7 =	vld [tilespmem:s29+$0x0]  }
0x3c: {  	[tilespmem:v11+s21+$0x0] =	vst.idx.add.f32.msk $0xffff, v3  }
0x3d: {  	v1 =	vand.u32 $0xFFFF0000, v4;
	v6 =	vld [tilespmem:s29+$0xFFFFFFA0]  }
0x3e: {  	v1 =	vmul.f32 v1, v10;
	v3 =	vld [tilespmem:s28+$0xFFFFFFD0]  }
0x3f: {  	v2 =	vld [tilespmem:s28+$0xFFFFFFF0]  }
0x40: {  	[tilespmem:v5+s21+$0x0] =	vst.idx.add.f32.msk $0xffff, v1  }
0x41: {  	v5 =	vld [tilespmem:s29+$0xFFFFFFC0]  }
0x42: {  	v4 =	vld [tilespmem:s29+$0xFFFFFFE0]  }
0x43: {  	v7 =	vld.idx.msk [tilespmem:v7+s2+$0x0], $0xffff  }
0x44: {  	s30 =	simm.s32 $0xC570;
	s29 =	simm.s32 $0x0;
	v1 =	vld [tilespmem:s28+$0x10]  }
.LBB2_4:
0x45: {  	v8 =	vld [tilespmem:s30+$0xFFFFFFF0]  }
0x46: {  	s29 =	sadd.s32 $0x4, s29;
	v9 =	vld [tilespmem:s28+$0x30]  }
0x47: {  	p1 =	slt.u32 s29, $0x18C;
	v10 =	vld [tilespmem:s30+$0xFFFFFFB0]  }
0x48: {  	v12 =	vand.u32 $0xFFFF, v7;
	v11 =	vld [tilespmem:s30+$0xFFFFFFD0]  }
0x49: {  	v13 =	vld [tilespmem:s30+$0xFFFFFF90]  }
0x4a: {  	v7 =	vand.u32 $0xFFFF0000, v7;
	v6 =	vld.idx.msk [tilespmem:v6+s2+$0x0], $0xffff  }
0x4b: {  	v5 =	vld.idx.msk [tilespmem:v5+s2+$0x0], $0xffff;
	v7 =	vmul.f32 v7, v9  }
0x4c: {  	v4 =	vld.idx.msk [tilespmem:v4+s2+$0x0], $0xffff  }
0x4d: {  	[tilespmem:v12+s22+$0x0] =	vst.idx.add.f32.msk $0xffff, v7  }
0x4e: {  	v7 =	vld.idx.msk [tilespmem:v8+s2+$0x0], $0xffff  }
0x4f: {  	v8 =	vld.idx.msk [tilespmem:v10+s2+$0x0], $0xffff  }
0x50: {  	v10 =	vand.u32 $0xFFFF0000, v6;
	v6 =	vand.u32 $0xFFFF, v6;
	v9 =	vld.idx.msk [tilespmem:v11+s2+$0x0], $0xffff  }
0x51: {  	s28 =	sadd.s32 $0x80, s28;
	v3 =	vmul.f32 v10, v3;
	v10 =	vand.u32 $0xFFFF0000, v5;
	v5 =	vand.u32 $0xFFFF, v5;
	v11 =	vld.idx.msk [tilespmem:v13+s2+$0x0], $0xffff  }
0x52: {  	v2 =	vmul.f32 v10, v2;
	v10 =	vand.u32 $0xFFFF0000, v4;
	v4 =	vand.u32 $0xFFFF, v4;
	v12 =	vld [tilespmem:s28+$0x20]  }
0x53: {  	v1 =	vmul.f32 v10, v1;
	v13 =	vld [tilespmem:s28+$0xFFFFFFC0]  }
0x54: {  	v14 =	vand.u32 $0xFFFF, v7;
	v10 =	vld [tilespmem:s28+$0xFFFFFFE0]  }
0x55: {  	v15 =	vand.u32 $0xFFFF0000, v8;
	v8 =	vand.u32 $0xFFFF, v8;
	v16 =	vld [tilespmem:s28+$0x0]  }
0x56: {  	v7 =	vand.u32 $0xFFFF0000, v7;
	v17 =	vand.u32 $0xFFFF0000, v9;
	v9 =	vand.u32 $0xFFFF, v9;
	[tilespmem:v6+s22+$0x0] =	vst.idx.add.f32.msk $0xffff, v3  }
0x57: {  	v3 =	vand.u32 $0xFFFF0000, v11;
	v6 =	vand.u32 $0xFFFF, v11;
	v7 =	vmul.f32 v7, v12;
	[tilespmem:v5+s22+$0x0] =	vst.idx.add.f32.msk $0xffff, v2  }
0x58: {  	v2 =	vmul.f32 v3, v13;
	[tilespmem:v4+s22+$0x0] =	vst.idx.add.f32.msk $0xffff, v1  }
0x59: {  	v1 =	vmul.f32 v15, v10;
	[tilespmem:v14+s21+$0x0] =	vst.idx.add.f32.msk $0xffff, v7  }
0x5a: {  	v3 =	vmul.f32 v17, v16;
	v7 =	vld [tilespmem:s30+$0x0]  }
0x5b: {  	[tilespmem:v8+s21+$0x0] =	vst.idx.add.f32.msk $0xffff, v1  }
0x5c: {  	[tilespmem:v6+s21+$0x0] =	vst.idx.add.f32.msk $0xffff, v2  }
0x5d: {  	[tilespmem:v9+s21+$0x0] =	vst.idx.add.f32.msk $0xffff, v3  }
0x5e: {  	v6 =	vld [tilespmem:s30+$0xFFFFFFA0]  }
0x5f: {  	v5 =	vld [tilespmem:s30+$0xFFFFFFC0]  }
.Ltmp1:
0x60: {  	v4 =	vld [tilespmem:s30+$0xFFFFFFE0];
	(pc) =	sbr.rel @p1 .LBB2_4-.Ltmp1, $4  }
0x61: {  	v3 =	vld [tilespmem:s28+$0xFFFFFFD0]  }
0x62: {  	v7 =	vld.idx.msk [tilespmem:v7+s2+$0x0], $0xffff  }
0x63: {  	v2 =	vld [tilespmem:s28+$0xFFFFFFF0]  }
0x64: {  	s30 =	sadd.s32 $0x100, s30;
	v1 =	vld [tilespmem:s28+$0x10]  }
0x65: {  	_ =	sdelay $0x2  }
0x66: {  	v8 =	vld [tilespmem:s28+$0x30]  }
0x67: {  	v6 =	vld.idx.msk [tilespmem:v6+s2+$0x0], $0xffff  }
0x68: {  	v5 =	vld.idx.msk [tilespmem:v5+s2+$0x0], $0xffff  }
0x69: {  	v4 =	vld.idx.msk [tilespmem:v4+s2+$0x0], $0xffff;
	_ =	sdelay $0x1  }
0x6a: {  	v9 =	vand.u32 $0xFFFF, v7  }
0x6b: {  	v10 =	vand.u32 $0xFFFF, v6  }
0x6c: {  	v7 =	vand.u32 $0xFFFF0000, v7;
	v11 =	vand.u32 $0xFFFF, v5  }
0x6d: {  	v7 =	vmul.f32 v7, v8;
	v6 =	vand.u32 $0xFFFF0000, v6;
	v8 =	vand.u32 $0xFFFF, v4  }
0x6e: {  	v5 =	vand.u32 $0xFFFF0000, v5;
	v3 =	vmul.f32 v6, v3  }
0x6f: {  	v4 =	vand.u32 $0xFFFF0000, v4;
	v2 =	vmul.f32 v5, v2;
	[tilespmem:v9+s22+$0x0] =	vst.idx.add.f32.msk $0xffff, v7  }
0x70: {  	v1 =	vmul.f32 v4, v1;
	[tilespmem:v10+s22+$0x0] =	vst.idx.add.f32.msk $0xffff, v3  }
0x71: {  	[tilespmem:v11+s22+$0x0] =	vst.idx.add.f32.msk $0xffff, v2  }
0x72: {  	[tilespmem:v8+s22+$0x0] =	vst.idx.add.f32.msk $0xffff, v1  }
0x73: {  	_ =	swait.ge [sflag:s23], $0x6400  }
0x74: {  	[sflag:s23] =	ssyncset.done $0x0  }
0x75: {  	[sflag:s23] =	ssyncadd.s32 $0xFFFF9C00  }
0x76: {  	_ =	swait.ge [sflag:s24], $0x3200  }
0x77: {  	[sflag:s24] =	ssyncset.done $0x0  }
0x78: {  	[sflag:s24] =	ssyncadd.s32 $0xFFFFCE00  }
0x79: {  	[tilespmem:s14], [sflag:$0x1] =	stream.linear.gather [hbm4b:s8+s2], $0x6400, $0x38;
	[tilespmem:$0x1FB80] =	vst v63  }
0x7a: {  	s29 =	simm.s32 $0x12870  }
0x7b: {  	[tilespmem:s15], [sflag:$0x3] =	stream.linear.gather [hbm4b:s9+s2], $0x3200, $0x38;
	[tilespmem:$0x1FB80] =	vst v63  }
0x7c: {  	v1 =	vld [tilespmem:s29+$0xFFFFFFF0]  }
0x7d: {  	v2 =	vld [tilespmem:s29+$0xFFFFFFB0];
	_ =	sdelay $0x1  }
0x7e: {  	v3 =	vld [tilespmem:s29+$0xFFFFFF90];
	_ =	sdelay $0x3  }
0x7f: {  	v4 =	vld [tilespmem:s29+$0xFFFFFFD0]  }
0x80: {  	v1 =	vld.idx.msk [tilespmem:v1+s2+$0x0], $0xffff  }
0x81: {  	s28 =	simm.s32 $0x1BDC0;
	v2 =	vld.idx.msk [tilespmem:v2+s2+$0x0], $0xffff  }
0x82: {  	v5 =	vld [tilespmem:s28+$0x20]  }
0x83: {  	v3 =	vld.idx.msk [tilespmem:v3+s2+$0x0], $0xffff  }
0x84: {  	v6 =	vld [tilespmem:s28+$0xFFFFFFE0]  }
0x85: {  	v7 =	vand.u32 $0xFFFF, v1  }
0x86: {  	v8 =	vld [tilespmem:s28+$0xFFFFFFC0];
	v61 =	vand.u32 $0xFFFF, v2  }
0x87: {  	v4 =	vld.idx.msk [tilespmem:v4+s2+$0x0], $0xffff;
	v1 =	vand.u32 $0xFFFF0000, v1  }
0x88: {  	v63 =	vand.u32 $0xFFFF, v3;
	v2 =	vand.u32 $0xFFFF0000, v2;
	v1 =	vmul.f32 v1, v5  }
0x89: {  	v62 =	vld [tilespmem:s28+$0x0];
	v2 =	vmul.f32 v2, v6  }
0x8a: {  	v3 =	vand.u32 $0xFFFF0000, v3;
	[tilespmem:v7+s21+$0x0] =	vst.idx.add.f32.msk $0xffff, v1  }
0x8b: {  	v3 =	vmul.f32 v3, v8;
	[tilespmem:v61+s21+$0x0] =	vst.idx.add.f32.msk $0xffff, v2  }
0x8c: {  	v5 =	vand.u32 $0xFFFF, v4;
	v7 =	vld [tilespmem:s29+$0x0]  }
0x8d: {  	[tilespmem:v63+s21+$0x0] =	vst.idx.add.f32.msk $0xffff, v3  }
0x8e: {  	v1 =	vand.u32 $0xFFFF0000, v4;
	v6 =	vld [tilespmem:s29+$0xFFFFFFA0]  }
0x8f: {  	v1 =	vmul.f32 v1, v62;
	v3 =	vld [tilespmem:s28+$0xFFFFFFD0]  }
0x90: {  	v2 =	vld [tilespmem:s28+$0xFFFFFFF0]  }
0x91: {  	[tilespmem:v5+s21+$0x0] =	vst.idx.add.f32.msk $0xffff, v1  }
0x92: {  	v5 =	vld [tilespmem:s29+$0xFFFFFFC0]  }
0x93: {  	v4 =	vld [tilespmem:s29+$0xFFFFFFE0]  }
0x94: {  	v7 =	vld.idx.msk [tilespmem:v7+s2+$0x0], $0xffff  }
0x95: {  	s30 =	simm.s32 $0x12970;
	s29 =	simm.s32 $0x0;
	v1 =	vld [tilespmem:s28+$0x10]  }
.LBB2_6:
0x96: {  	v8 =	vld [tilespmem:s30+$0xFFFFFFF0]  }
0x97: {  	s29 =	sadd.s32 $0x4, s29;
	v9 =	vld [tilespmem:s28+$0x30]  }
0x98: {  	p1 =	slt.u32 s29, $0x18C;
	v10 =	vld [tilespmem:s30+$0xFFFFFFB0]  }
0x99: {  	v12 =	vand.u32 $0xFFFF, v7;
	v11 =	vld [tilespmem:s30+$0xFFFFFFD0]  }
0x9a: {  	v13 =	vld [tilespmem:s30+$0xFFFFFF90]  }
0x9b: {  	v7 =	vand.u32 $0xFFFF0000, v7;
	v6 =	vld.idx.msk [tilespmem:v6+s2+$0x0], $0xffff  }
0x9c: {  	v5 =	vld.idx.msk [tilespmem:v5+s2+$0x0], $0xffff;
	v7 =	vmul.f32 v7, v9  }
0x9d: {  	v4 =	vld.idx.msk [tilespmem:v4+s2+$0x0], $0xffff  }
0x9e: {  	[tilespmem:v12+s22+$0x0] =	vst.idx.add.f32.msk $0xffff, v7  }
0x9f: {  	v7 =	vld.idx.msk [tilespmem:v8+s2+$0x0], $0xffff  }
0xa0: {  	v8 =	vld.idx.msk [tilespmem:v10+s2+$0x0], $0xffff  }
0xa1: {  	v10 =	vand.u32 $0xFFFF0000, v6;
	v6 =	vand.u32 $0xFFFF, v6;
	v9 =	vld.idx.msk [tilespmem:v11+s2+$0x0], $0xffff  }
0xa2: {  	s28 =	sadd.s32 $0x80, s28;
	v3 =	vmul.f32 v10, v3;
	v10 =	vand.u32 $0xFFFF0000, v5;
	v5 =	vand.u32 $0xFFFF, v5;
	v11 =	vld.idx.msk [tilespmem:v13+s2+$0x0], $0xffff  }
0xa3: {  	v2 =	vmul.f32 v10, v2;
	v10 =	vand.u32 $0xFFFF0000, v4;
	v4 =	vand.u32 $0xFFFF, v4;
	v12 =	vld [tilespmem:s28+$0x20]  }
0xa4: {  	v1 =	vmul.f32 v10, v1;
	v13 =	vld [tilespmem:s28+$0xFFFFFFC0]  }
0xa5: {  	v14 =	vand.u32 $0xFFFF, v7;
	v10 =	vld [tilespmem:s28+$0xFFFFFFE0]  }
0xa6: {  	v15 =	vand.u32 $0xFFFF0000, v8;
	v8 =	vand.u32 $0xFFFF, v8;
	v16 =	vld [tilespmem:s28+$0x0]  }
0xa7: {  	v7 =	vand.u32 $0xFFFF0000, v7;
	v17 =	vand.u32 $0xFFFF0000, v9;
	v9 =	vand.u32 $0xFFFF, v9;
	[tilespmem:v6+s22+$0x0] =	vst.idx.add.f32.msk $0xffff, v3  }
0xa8: {  	v3 =	vand.u32 $0xFFFF0000, v11;
	v6 =	vand.u32 $0xFFFF, v11;
	v7 =	vmul.f32 v7, v12;
	[tilespmem:v5+s22+$0x0] =	vst.idx.add.f32.msk $0xffff, v2  }
0xa9: {  	v2 =	vmul.f32 v3, v13;
	[tilespmem:v4+s22+$0x0] =	vst.idx.add.f32.msk $0xffff, v1  }
0xaa: {  	v1 =	vmul.f32 v15, v10;
	[tilespmem:v14+s21+$0x0] =	vst.idx.add.f32.msk $0xffff, v7  }
0xab: {  	v3 =	vmul.f32 v17, v16;
	v7 =	vld [tilespmem:s30+$0x0]  }
0xac: {  	[tilespmem:v8+s21+$0x0] =	vst.idx.add.f32.msk $0xffff, v1  }
0xad: {  	[tilespmem:v6+s21+$0x0] =	vst.idx.add.f32.msk $0xffff, v2  }
0xae: {  	[tilespmem:v9+s21+$0x0] =	vst.idx.add.f32.msk $0xffff, v3  }
0xaf: {  	v6 =	vld [tilespmem:s30+$0xFFFFFFA0]  }
0xb0: {  	v5 =	vld [tilespmem:s30+$0xFFFFFFC0]  }
.Ltmp2:
0xb1: {  	v4 =	vld [tilespmem:s30+$0xFFFFFFE0];
	(pc) =	sbr.rel @p1 .LBB2_6-.Ltmp2, $4  }
0xb2: {  	v3 =	vld [tilespmem:s28+$0xFFFFFFD0]  }
0xb3: {  	v7 =	vld.idx.msk [tilespmem:v7+s2+$0x0], $0xffff  }
0xb4: {  	v2 =	vld [tilespmem:s28+$0xFFFFFFF0]  }
0xb5: {  	s30 =	sadd.s32 $0x100, s30;
	v1 =	vld [tilespmem:s28+$0x10]  }
0xb6: {  	_ =	sdelay $0x2  }
0xb7: {  	v8 =	vld [tilespmem:s28+$0x30]  }
0xb8: {  	v6 =	vld.idx.msk [tilespmem:v6+s2+$0x0], $0xffff  }
0xb9: {  	v5 =	vld.idx.msk [tilespmem:v5+s2+$0x0], $0xffff  }
0xba: {  	v4 =	vld.idx.msk [tilespmem:v4+s2+$0x0], $0xffff;
	_ =	sdelay $0x1  }
0xbb: {  	v9 =	vand.u32 $0xFFFF, v7  }
0xbc: {  	v10 =	vand.u32 $0xFFFF, v6  }
0xbd: {  	v7 =	vand.u32 $0xFFFF0000, v7;
	v11 =	vand.u32 $0xFFFF, v5  }
0xbe: {  	v7 =	vmul.f32 v7, v8;
	v6 =	vand.u32 $0xFFFF0000, v6;
	v8 =	vand.u32 $0xFFFF, v4  }
0xbf: {  	v5 =	vand.u32 $0xFFFF0000, v5;
	v3 =	vmul.f32 v6, v3  }
0xc0: {  	v4 =	vand.u32 $0xFFFF0000, v4;
	v2 =	vmul.f32 v5, v2;
	[tilespmem:v9+s22+$0x0] =	vst.idx.add.f32.msk $0xffff, v7  }
0xc1: {  	v1 =	vmul.f32 v4, v1;
	[tilespmem:v10+s22+$0x0] =	vst.idx.add.f32.msk $0xffff, v3  }
0xc2: {  	[tilespmem:v11+s22+$0x0] =	vst.idx.add.f32.msk $0xffff, v2  }
0xc3: {  	[tilespmem:v8+s22+$0x0] =	vst.idx.add.f32.msk $0xffff, v1  }
0xc4: {  	_ =	swait.ge [sflag:s17], $0x6400  }
0xc5: {  	[sflag:s17] =	ssyncset.done $0x0  }
0xc6: {  	[sflag:s17] =	ssyncadd.s32 $0xFFFF9C00  }
0xc7: {  	_ =	swait.ge [sflag:s18], $0x3200  }
0xc8: {  	[sflag:s18] =	ssyncset.done $0x0  }
0xc9: {  	[sflag:s18] =	ssyncadd.s32 $0xFFFFCE00  }
0xca: {  	[tilespmem:s19], [sflag:$0x2] =	stream.linear.gather [hbm4b:s10+s2], $0x6400, $0x38;
	[tilespmem:$0x1FB80] =	vst v63  }
0xcb: {  	s29 =	simm.s32 $0xC470  }
0xcc: {  	[tilespmem:s20], [sflag:$0x4] =	stream.linear.gather [hbm4b:s11+s2], $0x3200, $0x38;
	[tilespmem:$0x1FB80] =	vst v63  }
0xcd: {  	v1 =	vld [tilespmem:s29+$0xFFFFFFF0]  }
0xce: {  	v2 =	vld [tilespmem:s29+$0xFFFFFFB0];
	_ =	sdelay $0x1  }
0xcf: {  	v3 =	vld [tilespmem:s29+$0xFFFFFF90];
	_ =	sdelay $0x3  }
0xd0: {  	v4 =	vld [tilespmem:s29+$0xFFFFFFD0]  }
0xd1: {  	v1 =	vld.idx.msk [tilespmem:v1+s2+$0x0], $0xffff  }
0xd2: {  	s28 =	simm.s32 $0x18BC0;
	v2 =	vld.idx.msk [tilespmem:v2+s2+$0x0], $0xffff  }
0xd3: {  	v5 =	vld [tilespmem:s28+$0x20]  }
0xd4: {  	v3 =	vld.idx.msk [tilespmem:v3+s2+$0x0], $0xffff  }
0xd5: {  	v6 =	vld [tilespmem:s28+$0xFFFFFFE0]  }
0xd6: {  	v7 =	vand.u32 $0xFFFF, v1  }
0xd7: {  	v8 =	vld [tilespmem:s28+$0xFFFFFFC0];
	v61 =	vand.u32 $0xFFFF, v2  }
0xd8: {  	v4 =	vld.idx.msk [tilespmem:v4+s2+$0x0], $0xffff;
	v1 =	vand.u32 $0xFFFF0000, v1  }
0xd9: {  	v63 =	vand.u32 $0xFFFF, v3;
	v2 =	vand.u32 $0xFFFF0000, v2;
	v1 =	vmul.f32 v1, v5  }
0xda: {  	v62 =	vld [tilespmem:s28+$0x0];
	v2 =	vmul.f32 v2, v6  }
0xdb: {  	v3 =	vand.u32 $0xFFFF0000, v3;
	[tilespmem:v7+s21+$0x0] =	vst.idx.add.f32.msk $0xffff, v1  }
0xdc: {  	v3 =	vmul.f32 v3, v8;
	[tilespmem:v61+s21+$0x0] =	vst.idx.add.f32.msk $0xffff, v2  }
0xdd: {  	v5 =	vand.u32 $0xFFFF, v4;
	v7 =	vld [tilespmem:s29+$0x0]  }
0xde: {  	[tilespmem:v63+s21+$0x0] =	vst.idx.add.f32.msk $0xffff, v3  }
0xdf: {  	v1 =	vand.u32 $0xFFFF0000, v4;
	v6 =	vld [tilespmem:s29+$0xFFFFFFA0]  }
0xe0: {  	v1 =	vmul.f32 v1, v62;
	v3 =	vld [tilespmem:s28+$0xFFFFFFD0]  }
0xe1: {  	v2 =	vld [tilespmem:s28+$0xFFFFFFF0]  }
0xe2: {  	[tilespmem:v5+s21+$0x0] =	vst.idx.add.f32.msk $0xffff, v1  }
0xe3: {  	v5 =	vld [tilespmem:s29+$0xFFFFFFC0]  }
0xe4: {  	v4 =	vld [tilespmem:s29+$0xFFFFFFE0]  }
0xe5: {  	v7 =	vld.idx.msk [tilespmem:v7+s2+$0x0], $0xffff  }
0xe6: {  	s30 =	simm.s32 $0xC570;
	s29 =	simm.s32 $0x0;
	v1 =	vld [tilespmem:s28+$0x10]  }
.LBB2_8:
0xe7: {  	v8 =	vld [tilespmem:s30+$0xFFFFFFF0]  }
0xe8: {  	s29 =	sadd.s32 $0x4, s29;
	v9 =	vld [tilespmem:s28+$0x30]  }
0xe9: {  	p1 =	slt.u32 s29, $0x18C;
	v10 =	vld [tilespmem:s30+$0xFFFFFFB0]  }
0xea: {  	v12 =	vand.u32 $0xFFFF, v7;
	v11 =	vld [tilespmem:s30+$0xFFFFFFD0]  }
0xeb: {  	v13 =	vld [tilespmem:s30+$0xFFFFFF90]  }
0xec: {  	v7 =	vand.u32 $0xFFFF0000, v7;
	v6 =	vld.idx.msk [tilespmem:v6+s2+$0x0], $0xffff  }
0xed: {  	v5 =	vld.idx.msk [tilespmem:v5+s2+$0x0], $0xffff;
	v7 =	vmul.f32 v7, v9  }
0xee: {  	v4 =	vld.idx.msk [tilespmem:v4+s2+$0x0], $0xffff  }
0xef: {  	[tilespmem:v12+s22+$0x0] =	vst.idx.add.f32.msk $0xffff, v7  }
0xf0: {  	v7 =	vld.idx.msk [tilespmem:v8+s2+$0x0], $0xffff  }
0xf1: {  	v8 =	vld.idx.msk [tilespmem:v10+s2+$0x0], $0xffff  }
0xf2: {  	v10 =	vand.u32 $0xFFFF0000, v6;
	v6 =	vand.u32 $0xFFFF, v6;
	v9 =	vld.idx.msk [tilespmem:v11+s2+$0x0], $0xffff  }
0xf3: {  	s28 =	sadd.s32 $0x80, s28;
	v3 =	vmul.f32 v10, v3;
	v10 =	vand.u32 $0xFFFF0000, v5;
	v5 =	vand.u32 $0xFFFF, v5;
	v11 =	vld.idx.msk [tilespmem:v13+s2+$0x0], $0xffff  }
0xf4: {  	v2 =	vmul.f32 v10, v2;
	v10 =	vand.u32 $0xFFFF0000, v4;
	v4 =	vand.u32 $0xFFFF, v4;
	v12 =	vld [tilespmem:s28+$0x20]  }
0xf5: {  	v1 =	vmul.f32 v10, v1;
	v13 =	vld [tilespmem:s28+$0xFFFFFFC0]  }
0xf6: {  	v14 =	vand.u32 $0xFFFF, v7;
	v10 =	vld [tilespmem:s28+$0xFFFFFFE0]  }
0xf7: {  	v15 =	vand.u32 $0xFFFF0000, v8;
	v8 =	vand.u32 $0xFFFF, v8;
	v16 =	vld [tilespmem:s28+$0x0]  }
0xf8: {  	v7 =	vand.u32 $0xFFFF0000, v7;
	v17 =	vand.u32 $0xFFFF0000, v9;
	v9 =	vand.u32 $0xFFFF, v9;
	[tilespmem:v6+s22+$0x0] =	vst.idx.add.f32.msk $0xffff, v3  }
0xf9: {  	v3 =	vand.u32 $0xFFFF0000, v11;
	v6 =	vand.u32 $0xFFFF, v11;
	v7 =	vmul.f32 v7, v12;
	[tilespmem:v5+s22+$0x0] =	vst.idx.add.f32.msk $0xffff, v2  }
0xfa: {  	v2 =	vmul.f32 v3, v13;
	[tilespmem:v4+s22+$0x0] =	vst.idx.add.f32.msk $0xffff, v1  }
0xfb: {  	v1 =	vmul.f32 v15, v10;
	[tilespmem:v14+s21+$0x0] =	vst.idx.add.f32.msk $0xffff, v7  }
0xfc: {  	v3 =	vmul.f32 v17, v16;
	v7 =	vld [tilespmem:s30+$0x0]  }
0xfd: {  	[tilespmem:v8+s21+$0x0] =	vst.idx.add.f32.msk $0xffff, v1  }
0xfe: {  	[tilespmem:v6+s21+$0x0] =	vst.idx.add.f32.msk $0xffff, v2  }
0xff: {  	[tilespmem:v9+s21+$0x0] =	vst.idx.add.f32.msk $0xffff, v3  }
0x100: {  	v6 =	vld [tilespmem:s30+$0xFFFFFFA0]  }
0x101: {  	v5 =	vld [tilespmem:s30+$0xFFFFFFC0]  }
.Ltmp3:
0x102: {  	v4 =	vld [tilespmem:s30+$0xFFFFFFE0];
	(pc) =	sbr.rel @p1 .LBB2_8-.Ltmp3, $4  }
0x103: {  	v3 =	vld [tilespmem:s28+$0xFFFFFFD0]  }
0x104: {  	v7 =	vld.idx.msk [tilespmem:v7+s2+$0x0], $0xffff  }
0x105: {  	v2 =	vld [tilespmem:s28+$0xFFFFFFF0]  }
0x106: {  	s30 =	sadd.s32 $0x100, s30;
	v1 =	vld [tilespmem:s28+$0x10]  }
0x107: {  	_ =	sdelay $0x2  }
0x108: {  	v8 =	vld [tilespmem:s28+$0x30]  }
0x109: {  	v6 =	vld.idx.msk [tilespmem:v6+s2+$0x0], $0xffff  }
0x10a: {  	v5 =	vld.idx.msk [tilespmem:v5+s2+$0x0], $0xffff  }
0x10b: {  	v4 =	vld.idx.msk [tilespmem:v4+s2+$0x0], $0xffff;
	_ =	sdelay $0x1  }
0x10c: {  	v9 =	vand.u32 $0xFFFF, v7  }
0x10d: {  	v10 =	vand.u32 $0xFFFF, v6  }
0x10e: {  	v62 =	vand.u32 $0xFFFF0000, v7;
	v11 =	vand.u32 $0xFFFF, v5  }
0x10f: {  	v7 =	vmul.f32 v62, v8;
	v6 =	vand.u32 $0xFFFF0000, v6;
	v63 =	vand.u32 $0xFFFF, v4  }
0x110: {  	v5 =	vand.u32 $0xFFFF0000, v5;
	v3 =	vmul.f32 v6, v3  }
0x111: {  	v4 =	vand.u32 $0xFFFF0000, v4;
	v2 =	vmul.f32 v5, v2;
	[tilespmem:v9+s22+$0x0] =	vst.idx.add.f32.msk $0xffff, v7  }
0x112: {  	v1 =	vmul.f32 v4, v1;
	[tilespmem:v10+s22+$0x0] =	vst.idx.add.f32.msk $0xffff, v3  }
0x113: {  	[tilespmem:v11+s22+$0x0] =	vst.idx.add.f32.msk $0xffff, v2  }
0x114: {  	[tilespmem:v63+s22+$0x0] =	vst.idx.add.f32.msk $0xffff, v1  }
0x115: {  	_ =	swait.ge [sflag:s23], $0x6400  }
.Ltmp4:
0x116: {  	[sflag:s23] =	ssyncset.done $0x0;
	(pc) =	sbr.rel @p0 .LBB2_13-.Ltmp4, $4  }
0x117: {  	[sflag:s23] =	ssyncadd.s32 $0xFFFF9C00  }
0x118: {  	_ =	swait.ge [sflag:s24], $0x3200  }
0x119: {  	[sflag:s24] =	ssyncset.done $0x0  }
0x11a: {  	[sflag:s24] =	ssyncadd.s32 $0xFFFFCE00  }
0x11b: {  	s29 =	simm.s32 $0x12870  }
0x11c: {  	v1 =	vld [tilespmem:s29+$0xFFFFFFF0]  }
0x11d: {  	v2 =	vld [tilespmem:s29+$0xFFFFFFB0];
	_ =	sdelay $0x1  }
0x11e: {  	v3 =	vld [tilespmem:s29+$0xFFFFFF90];
	_ =	sdelay $0x3  }
0x11f: {  	v4 =	vld [tilespmem:s29+$0xFFFFFFD0]  }
0x120: {  	v1 =	vld.idx.msk [tilespmem:v1+s2+$0x0], $0xffff  }
0x121: {  	s28 =	simm.s32 $0x1BDC0;
	v2 =	vld.idx.msk [tilespmem:v2+s2+$0x0], $0xffff  }
0x122: {  	v5 =	vld [tilespmem:s28+$0x20]  }
0x123: {  	v3 =	vld.idx.msk [tilespmem:v3+s2+$0x0], $0xffff  }
0x124: {  	v6 =	vld [tilespmem:s28+$0xFFFFFFE0]  }
0x125: {  	v7 =	vand.u32 $0xFFFF, v1  }
0x126: {  	v8 =	vld [tilespmem:s28+$0xFFFFFFC0];
	v9 =	vand.u32 $0xFFFF, v2  }
0x127: {  	v4 =	vld.idx.msk [tilespmem:v4+s2+$0x0], $0xffff;
	v1 =	vand.u32 $0xFFFF0000, v1  }
0x128: {  	v11 =	vand.u32 $0xFFFF, v3;
	v2 =	vand.u32 $0xFFFF0000, v2;
	v1 =	vmul.f32 v1, v5  }
0x129: {  	v10 =	vld [tilespmem:s28+$0x0];
	v2 =	vmul.f32 v2, v6  }
0x12a: {  	v3 =	vand.u32 $0xFFFF0000, v3;
	[tilespmem:v7+s21+$0x0] =	vst.idx.add.f32.msk $0xffff, v1  }
0x12b: {  	v3 =	vmul.f32 v3, v8;
	[tilespmem:v9+s21+$0x0] =	vst.idx.add.f32.msk $0xffff, v2  }
0x12c: {  	v5 =	vand.u32 $0xFFFF, v4;
	v7 =	vld [tilespmem:s29+$0x0]  }
0x12d: {  	[tilespmem:v11+s21+$0x0] =	vst.idx.add.f32.msk $0xffff, v3  }
0x12e: {  	v1 =	vand.u32 $0xFFFF0000, v4;
	v6 =	vld [tilespmem:s29+$0xFFFFFFA0]  }
0x12f: {  	v1 =	vmul.f32 v1, v10;
	v3 =	vld [tilespmem:s28+$0xFFFFFFD0]  }
0x130: {  	v2 =	vld [tilespmem:s28+$0xFFFFFFF0]  }
0x131: {  	[tilespmem:v5+s21+$0x0] =	vst.idx.add.f32.msk $0xffff, v1  }
0x132: {  	v5 =	vld [tilespmem:s29+$0xFFFFFFC0]  }
0x133: {  	v4 =	vld [tilespmem:s29+$0xFFFFFFE0]  }
0x134: {  	v7 =	vld.idx.msk [tilespmem:v7+s2+$0x0], $0xffff  }
0x135: {  	s30 =	simm.s32 $0x12970;
	s29 =	simm.s32 $0x0;
	v1 =	vld [tilespmem:s28+$0x10]  }
.LBB2_11:
0x136: {  	v8 =	vld [tilespmem:s30+$0xFFFFFFF0]  }
0x137: {  	s29 =	sadd.s32 $0x4, s29;
	v9 =	vld [tilespmem:s28+$0x30]  }
0x138: {  	p1 =	slt.u32 s29, $0x18C;
	v10 =	vld [tilespmem:s30+$0xFFFFFFB0]  }
0x139: {  	v12 =	vand.u32 $0xFFFF, v7;
	v11 =	vld [tilespmem:s30+$0xFFFFFFD0]  }
0x13a: {  	v13 =	vld [tilespmem:s30+$0xFFFFFF90]  }
0x13b: {  	v7 =	vand.u32 $0xFFFF0000, v7;
	v6 =	vld.idx.msk [tilespmem:v6+s2+$0x0], $0xffff  }
0x13c: {  	v5 =	vld.idx.msk [tilespmem:v5+s2+$0x0], $0xffff;
	v7 =	vmul.f32 v7, v9  }
0x13d: {  	v4 =	vld.idx.msk [tilespmem:v4+s2+$0x0], $0xffff  }
0x13e: {  	[tilespmem:v12+s22+$0x0] =	vst.idx.add.f32.msk $0xffff, v7  }
0x13f: {  	v7 =	vld.idx.msk [tilespmem:v8+s2+$0x0], $0xffff  }
0x140: {  	v8 =	vld.idx.msk [tilespmem:v10+s2+$0x0], $0xffff  }
0x141: {  	v10 =	vand.u32 $0xFFFF0000, v6;
	v6 =	vand.u32 $0xFFFF, v6;
	v9 =	vld.idx.msk [tilespmem:v11+s2+$0x0], $0xffff  }
0x142: {  	s28 =	sadd.s32 $0x80, s28;
	v3 =	vmul.f32 v10, v3;
	v10 =	vand.u32 $0xFFFF0000, v5;
	v5 =	vand.u32 $0xFFFF, v5;
	v11 =	vld.idx.msk [tilespmem:v13+s2+$0x0], $0xffff  }
0x143: {  	v2 =	vmul.f32 v10, v2;
	v10 =	vand.u32 $0xFFFF0000, v4;
	v4 =	vand.u32 $0xFFFF, v4;
	v12 =	vld [tilespmem:s28+$0x20]  }
0x144: {  	v1 =	vmul.f32 v10, v1;
	v13 =	vld [tilespmem:s28+$0xFFFFFFC0]  }
0x145: {  	v14 =	vand.u32 $0xFFFF, v7;
	v10 =	vld [tilespmem:s28+$0xFFFFFFE0]  }
0x146: {  	v15 =	vand.u32 $0xFFFF0000, v8;
	v8 =	vand.u32 $0xFFFF, v8;
	v16 =	vld [tilespmem:s28+$0x0]  }
0x147: {  	v7 =	vand.u32 $0xFFFF0000, v7;
	v17 =	vand.u32 $0xFFFF0000, v9;
	v9 =	vand.u32 $0xFFFF, v9;
	[tilespmem:v6+s22+$0x0] =	vst.idx.add.f32.msk $0xffff, v3  }
0x148: {  	v3 =	vand.u32 $0xFFFF0000, v11;
	v6 =	vand.u32 $0xFFFF, v11;
	v7 =	vmul.f32 v7, v12;
	[tilespmem:v5+s22+$0x0] =	vst.idx.add.f32.msk $0xffff, v2  }
0x149: {  	v2 =	vmul.f32 v3, v13;
	[tilespmem:v4+s22+$0x0] =	vst.idx.add.f32.msk $0xffff, v1  }
0x14a: {  	v1 =	vmul.f32 v15, v10;
	[tilespmem:v14+s21+$0x0] =	vst.idx.add.f32.msk $0xffff, v7  }
0x14b: {  	v3 =	vmul.f32 v17, v16;
	v7 =	vld [tilespmem:s30+$0x0]  }
0x14c: {  	[tilespmem:v8+s21+$0x0] =	vst.idx.add.f32.msk $0xffff, v1  }
0x14d: {  	[tilespmem:v6+s21+$0x0] =	vst.idx.add.f32.msk $0xffff, v2  }
0x14e: {  	[tilespmem:v9+s21+$0x0] =	vst.idx.add.f32.msk $0xffff, v3  }
0x14f: {  	v6 =	vld [tilespmem:s30+$0xFFFFFFA0]  }
0x150: {  	v5 =	vld [tilespmem:s30+$0xFFFFFFC0]  }
.Ltmp5:
0x151: {  	v4 =	vld [tilespmem:s30+$0xFFFFFFE0];
	(pc) =	sbr.rel @p1 .LBB2_11-.Ltmp5, $4  }
0x152: {  	v3 =	vld [tilespmem:s28+$0xFFFFFFD0]  }
0x153: {  	v7 =	vld.idx.msk [tilespmem:v7+s2+$0x0], $0xffff  }
0x154: {  	v2 =	vld [tilespmem:s28+$0xFFFFFFF0]  }
0x155: {  	s30 =	sadd.s32 $0x100, s30;
	v1 =	vld [tilespmem:s28+$0x10]  }
0x156: {  	_ =	sdelay $0x2  }
0x157: {  	v8 =	vld [tilespmem:s28+$0x30]  }
0x158: {  	v6 =	vld.idx.msk [tilespmem:v6+s2+$0x0], $0xffff  }
0x159: {  	v5 =	vld.idx.msk [tilespmem:v5+s2+$0x0], $0xffff  }
0x15a: {  	v4 =	vld.idx.msk [tilespmem:v4+s2+$0x0], $0xffff;
	_ =	sdelay $0x1  }
0x15b: {  	v9 =	vand.u32 $0xFFFF, v7  }
0x15c: {  	v10 =	vand.u32 $0xFFFF, v6  }
0x15d: {  	v62 =	vand.u32 $0xFFFF0000, v7;
	v11 =	vand.u32 $0xFFFF, v5  }
0x15e: {  	v7 =	vmul.f32 v62, v8;
	v6 =	vand.u32 $0xFFFF0000, v6;
	v63 =	vand.u32 $0xFFFF, v4  }
0x15f: {  	v5 =	vand.u32 $0xFFFF0000, v5;
	v3 =	vmul.f32 v6, v3  }
0x160: {  	v4 =	vand.u32 $0xFFFF0000, v4;
	v2 =	vmul.f32 v5, v2;
	[tilespmem:v9+s22+$0x0] =	vst.idx.add.f32.msk $0xffff, v7  }
0x161: {  	v1 =	vmul.f32 v4, v1;
	[tilespmem:v10+s22+$0x0] =	vst.idx.add.f32.msk $0xffff, v3  }
0x162: {  	[tilespmem:v11+s22+$0x0] =	vst.idx.add.f32.msk $0xffff, v2  }
0x163: {  	[tilespmem:v63+s22+$0x0] =	vst.idx.add.f32.msk $0xffff, v1  }
.LBB2_13:
0x164: {  	s30 =	simm.s32 $0x0  }
0x165: {  	v1 =	vld [tilespmem:s30+$0x1EF80]  }
0x166: {  	v2 =	vld [tilespmem:s30+$0x1F380];
	_ =	sdelay $0x1  }
0x167: {  	s28 =	simm.s32 $0x0;
	s29 =	simm.s32 $0x40;
	s30 =	simm.s32 $0x0  }
.LBB2_14:
0x168: {  	s31 =	sshra.s32 s29, $0x2;
	s0 =	sand.u32 $0x70, s28  }
0x169: {  	s1 =	sand.u32 $0xE00, s30;
	s30 =	smov.u32 s29;
	p1 =	sne.s32 s29, $0xFC0  }
.Ltmp6:
0x16a: {  	s29 =	sadd.s32 $0x40, s29;
	v3 =	vadd.f32 v2, v1;
	v1 =	vld [tilespmem:s31+$0x1EF80];
	s1 =	sshrl.u32 s1, $0x2;
	(pc) =	sbr.rel @p1 .LBB2_14-.Ltmp6, $3  }
0x16b: {  	v2 =	vld [tilespmem:s31+$0x1F380];
	s0 =	sor.u32 s0, s1  }
0x16c: {  	[tilespmem:s0+$0x1F780] =	vst v3;
	_ =	sdelay $0x1  }
0x16d: {  	s28 =	sadd.s32 $0x10, s28  }
0x16e: {  	s0 =	sand.u32 $0xE00, s30  }
0x16f: {  	s1 =	sand.u32 $0x70, s28;
	s26 =	sadd.s32 $0x1, s26;
	v1 =	vadd.f32 v2, v1;
	s0 =	sshrl.u32 s0, $0x2  }
0x170: {  	p1 =	sne.s32 s26, s13;
	s0 =	sor.u32 s1, s0  }
.Ltmp7:
0x171: {  	[tilespmem:s0+$0x1F780] =	vst v1;
	(pc) =	sbr.rel @p1 .LBB2_1-.Ltmp7, $4  }
0x172: {  	[hbm4b:s12+s2] =	stream.linear.scatter [tilespmem:s25], [sflag:$0x5], $0x400, $0x38;
	[tilespmem:$0x1FB80] =	vst v63  }
0x173: {  	_ =	swait.ge [sflag:s16], $0x400  }
0x174: {  	[sflag:s16] =	ssyncset.done $0x0  }
0x175: {  	[sflag:s16] =	ssyncadd.s32 $0xFFFFFC00  }
0x176: {  	_ =	sfence.sel $0x180000  }
0x177: {  	[bflag:$0x0] =	sbarrier.arrive $0xFFFF  }
0x178: {  	_ =	strace $0x90000047  }
0x179: {  	s0 =	stileid.u32;
	[bflag:$0x2] =	sbarrier.arrive $0xFFFF  }
0x17a: {  	p0 =	sne.s32 s0, $0x0;
	s0 =	rddreg [dreg:$0x3]  }
0x17b: {  	s0 =	sadd.s32 @!p0 $0x100000, s0  }
0x17c: {  	[sflag:s0] =	ssyncadd.tile.s32 @!p0 $0x1;
	_ =	shalt  }
.Lfunc_end2:
_tile_overlayer_lowered:
.L_overlay_start_2:
0x17d: {  	(tag) =	ssettag $0x2  }
0x17e: {  	s0 =	rddreg [dreg:$0x0];
	s2 =	stileid.u32  }
0x17f: {  	s1 =	rddreg [dreg:$0x1];
	p0 =	sne.s32 s2, $0x0  }
0x180: {  	s3 =	rddreg [dreg:$0x2];
	[bflag:$0x3] =	sbarrier.arrive $0xFFFF;
	s2 =	simm.s32 @!p0 $0x1C05  }
0x181: {  	[timem:s3], [sflag:s2] =	dma.local @!p0 [hbm:s0], s1  }
0x182: {  	s0 =	simm.s32 @!p0 $0x5  }
0x183: {  	_ =	swait.ge @!p0 [sflag:s0], s1  }
0x184: {  	s1 =	ssub.s32 @!p0 $0x0, s1;
	[sflag:s0] =	ssyncset.done @!p0 $0x0  }
0x185: {  	[sflag:s0] =	ssyncadd.s32 @!p0 s1  }
0x186: {  	[bflag:$0x3] =	sbarrier.arrive $0xFFFF  }
0x187: {  	_ =	shalt  }

</sc_bundles>
